<compile_context>
chip_gen: v7x
topology: tpu7x:2x2x1
jax: 0.10.2.dev20260603
libtpu: 0.0.44.dev20260713+nightly
codegen_flags: <defaults>
</compile_context>

<pallas_src>
import functools
import math

import jax
import jax.numpy as jnp
import numpy as np
from jax import lax
from jax.experimental import pallas as pl


def _pick_split(L: int):
    n2 = min(128, L // 2)
    return L // n2, n2


def _tables(L: int):
    N1, N2 = _pick_split(L)
    a1 = np.arange(N1, dtype=np.int64)
    a2 = np.arange(N2, dtype=np.int64)
    ang1 = (np.outer(a1, a1) % N1).astype(np.float64) * (2.0 * np.pi / N1)
    ang2 = (np.outer(a2, a2) % N2).astype(np.float64) * (2.0 * np.pi / N2)
    w1c, w1s = np.cos(ang1), np.sin(ang1)
    w2c, w2s = np.cos(ang2), np.sin(ang2)
    angt = (np.outer(a2, a1) % L).astype(np.float64) * (2.0 * np.pi / L)
    twc, tws = np.cos(angt), np.sin(angt)

    f32 = lambda x: x.astype(np.float32)
    mats = dict(
        w1f=f32(np.concatenate([w1c, -w1s], axis=1)),
        w2f=f32(np.block([[w2c, -w2s], [w2s, w2c]])),
        w2i=f32(np.block([[w2c, w2s], [-w2s, w2c]])),
        w1i=f32(np.concatenate([w1c, -w1s], axis=0) / L),
    )
    tabs = {}
    for name, m in mats.items():
        hi = m.astype(jnp.bfloat16)
        lo = (m - np.asarray(hi, np.float32)).astype(jnp.bfloat16)
        tabs[name + "_hi"] = jnp.asarray(hi)
        tabs[name + "_3"] = jnp.asarray(np.concatenate([hi, lo, hi], axis=0))
    tabs["twct"] = jnp.asarray(f32(twc.T[None]))
    tabs["twst"] = jnp.asarray(f32(tws.T[None]))
    return N1, N2, tabs


_BF = jnp.bfloat16


def _bdot(a, b):
    return jnp.dot(a, b, preferred_element_type=jnp.float32)


def _hi_lo(x):
    hi = x.astype(_BF)
    lo = (x - hi.astype(jnp.float32)).astype(_BF)
    return hi, lo


def _fft_fwd(x, t, precise):
    M, N1, N2 = x.shape
    if precise:
        x_hi, x_lo = _hi_lo(x)
        xht = jnp.swapaxes(x_hi, 1, 2)
        xlt = jnp.swapaxes(x_lo, 1, 2)
        lhs = jnp.concatenate([xht, xht, xlt], axis=2).reshape(M * N2, 3 * N1)
        a = _bdot(lhs, t["w1f_3"])
    else:
        xt = jnp.swapaxes(x.astype(_BF), 1, 2).reshape(M * N2, N1)
        a = _bdot(xt, t["w1f_hi"])
    at = jnp.swapaxes(a.reshape(M, N2, 2 * N1), 1, 2)
    are, aim = at[:, :N1, :], at[:, N1:, :]
    bre = are * t["twct"] + aim * t["twst"]
    bim = aim * t["twct"] - are * t["twst"]
    if precise:
        bre_hi, bre_lo = _hi_lo(bre)
        bim_hi, bim_lo = _hi_lo(bim)
        lhs2 = jnp.concatenate(
            [bre_hi, bim_hi, bre_hi, bim_hi, bre_lo, bim_lo],
            axis=2).reshape(M * N1, 6 * N2)
        c = _bdot(lhs2, t["w2f_3"])
    else:
        lhs2 = jnp.concatenate([bre.astype(_BF), bim.astype(_BF)],
                               axis=2).reshape(M * N1, 2 * N2)
        c = _bdot(lhs2, t["w2f_hi"])
    c = c.reshape(M, N1, 2 * N2)
    return c[:, :, :N2], c[:, :, N2:]


def _fft_inv_real(zre, zim, t, precise):
    M, N1, N2 = zre.shape
    if precise:
        zre_hi, zre_lo = _hi_lo(zre)
        zim_hi, zim_lo = _hi_lo(zim)
        lhs = jnp.concatenate(
            [zre_hi, zim_hi, zre_hi, zim_hi, zre_lo, zim_lo],
            axis=2).reshape(M * N1, 6 * N2)
        g = _bdot(lhs, t["w2i_3"])
    else:
        lhs = jnp.concatenate([zre.astype(_BF), zim.astype(_BF)],
                              axis=2).reshape(M * N1, 2 * N2)
        g = _bdot(lhs, t["w2i_hi"])
    g = g.reshape(M, N1, 2 * N2)
    gre, gim = g[:, :, :N2], g[:, :, N2:]
    hre = gre * t["twct"] - gim * t["twst"]
    him = gre * t["twst"] + gim * t["twct"]
    if precise:
        hre_hi, hre_lo = _hi_lo(hre)
        him_hi, him_lo = _hi_lo(him)
        h_hi = jnp.swapaxes(jnp.concatenate([hre_hi, him_hi], axis=1), 1, 2)
        h_lo = jnp.swapaxes(jnp.concatenate([hre_lo, him_lo], axis=1), 1, 2)
        lhs2 = jnp.concatenate([h_hi, h_hi, h_lo],
                               axis=2).reshape(M * N2, 6 * N1)
        o = _bdot(lhs2, t["w1i_3"])
    else:
        hcat = jnp.concatenate([hre.astype(_BF), him.astype(_BF)], axis=1)
        lhs2 = jnp.swapaxes(hcat, 1, 2).reshape(M * N2, 2 * N1)
        o = _bdot(lhs2, t["w1i_hi"])
    return jnp.swapaxes(o.reshape(M, N2, N1), 1, 2)


def _autocorr_body(k_top, C, L, N1, N2, tab_names, q_ref, k_ref, v_ref,
                   *tab_refs_and_out):
    tab_refs = tab_refs_and_out[:-1]
    o_ref = tab_refs_and_out[-1]
    t = {name: ref[...] for name, ref in zip(tab_names, tab_refs)}
    f32 = jnp.float32

    q_re, q_im = _fft_fwd(q_ref[...], t, precise=True)
    k_re, k_im = _fft_fwd(k_ref[...], t, precise=True)
    z_re = q_re * k_re + q_im * k_im
    z_im = q_im * k_re - q_re * k_im
    corr = _fft_inv_real(z_re, z_im, t, precise=True)

    tau = (N2 * lax.broadcasted_iota(jnp.int32, (C, N1, N2), 1)
           + lax.broadcasted_iota(jnp.int32, (C, N1, N2), 2))
    vals, taos = [], []
    c = corr
    for _ in range(k_top):
        m_i = jnp.max(jnp.max(c, axis=1, keepdims=True), axis=2,
                      keepdims=True)
        hit = jnp.where(c == m_i, tau, L)
        first = jnp.min(jnp.min(hit, axis=1, keepdims=True), axis=2,
                        keepdims=True)
        vals.append(m_i)
        taos.append(first)
        c = jnp.where(tau == first, -jnp.inf, c)

    exps = [jnp.exp(x_ - vals[0]) for x_ in vals]
    denom = exps[0]
    for e in exps[1:]:
        denom = denom + e

    s = jnp.zeros((C, N1, N2), f32)
    for i in range(k_top):
        s = s + jnp.where(tau == taos[i], exps[i] / denom, f32(0.0))

    s_re, s_im = _fft_fwd(s, t, precise=False)
    v_re, v_im = _fft_fwd(v_ref[...], t, precise=False)
    o_re = v_re * s_re + v_im * s_im
    o_im = v_im * s_re - v_re * s_im
    o_ref[...] = _fft_inv_real(o_re, o_im, t, precise=False)


def kernel(queries, keys, values, attn_mask):
    B, L, H, E = queries.shape
    NCH = B * H * E
    k_top = int(math.log(L))

    N1, N2, tabs = _tables(L)
    tab_names = list(tabs.keys())
    tab_vals = [tabs[n] for n in tab_names]

    def pre(x):
        return x.transpose(0, 2, 3, 1).reshape(NCH, N1, N2)

    q2, k2, v2 = pre(queries), pre(keys), pre(values)

    C = 128
    while NCH % C:
        C //= 2
    grid = NCH // C

    body = functools.partial(_autocorr_body, k_top, C, L, N1, N2, tab_names)

    row_spec = pl.BlockSpec((C, N1, N2), lambda i: (i, 0, 0))
    tab_specs = [
        pl.BlockSpec(tv.shape, lambda i, n=tv.ndim: (0,) * n)
        for tv in tab_vals
    ]
    out2 = pl.pallas_call(
        body,
        grid=(grid,),
        in_specs=[row_spec, row_spec, row_spec] + tab_specs,
        out_specs=row_spec,
        out_shape=jax.ShapeDtypeStruct((NCH, N1, N2), jnp.float32),
    )(q2, k2, v2, *tab_vals)

    return out2.reshape(B, H, E, L).transpose(0, 3, 1, 2)

# --- scband reference (transcript-rebuilt; emitter-appended) ---
"""Pipeline reference for scband-auto-correlation-69793218560064 (READ-ONLY COPY).

The authoritative reference and input builder live on the scoring server;
editing this copy changes nothing except your own understanding.
"""

import jax, jax.numpy as jnp
import numpy as np
import math

B, L, H, E = 4, 2048, 16, 64
FACTOR = 1

def setup_inputs(seed: int = 0) -> dict:
    key = jax.random.key(seed)
    k1, k2, k3 = jax.random.split(key, 3)
    queries = jax.random.normal(k1, (B, L, H, E), dtype=jnp.float32)
    keys = jax.random.normal(k2, (B, L, H, E), dtype=jnp.float32)
    values = jax.random.normal(k3, (B, L, H, E), dtype=jnp.float32)
    attn_mask = jnp.zeros((B, 1, L, L), dtype=bool)
    return {"queries": queries, "keys": keys, "values": values, "attn_mask": attn_mask}

def _time_delay_agg_full(values, r_qk, factor=FACTOR):
    # values, r_qk: [batch, head, channel, length]
    batch, head, channel, length = values.shape
    init_index = jnp.broadcast_to(jnp.arange(length)[None, None, None, :], values.shape)
    k = int(factor * math.log(length))
    r_qk_top, tao = jax.lax.top_k(r_qk, k)
    r_qk_softmax = jax.nn.softmax(r_qk_top, axis=-1)
    tmp_values = jnp.concatenate([values, values], axis=-1)
    delays_agg = jnp.zeros_like(values)
    for i in range(k):
        tmp_index = init_index + tao[..., i:i + 1]
        roll_v_tao = jnp.take_along_axis(tmp_values, tmp_index, axis=-1)
        delays_agg = delays_agg + roll_v_tao * r_qk_softmax[..., i:i + 1]
    return delays_agg

def reference(queries, keys, values, attn_mask):
    Bq, Lq, Hq, Eq = queries.shape
    _, S, _, D = values.shape
    if Lq > S:
        pad = jnp.zeros((Bq, Lq - S, Hq, D), dtype=values.dtype)
        values = jnp.concatenate([values, pad], axis=1)
        keys = jnp.concatenate([keys, pad], axis=1)
    else:
        values = values[:, :Lq]
        keys = keys[:, :Lq]
    # period-based dependencies via FFT cross-correlation
    q = jnp.transpose(queries, (0, 2, 3, 1))  # [B,H,E,L]
    kk = jnp.transpose(keys, (0, 2, 3, 1))
    v = jnp.transpose(values, (0, 2, 3, 1))
    q_fft = jnp.fft.rfft(q, axis=-1)
    k_fft = jnp.fft.rfft(kk, axis=-1)
    corr = jnp.fft.irfft(q_fft * jnp.conj(k_fft), n=Lq, axis=-1)  # [B,H,E,L]
    # time delay aggregation (agg_mode='full')
    V = _time_delay_agg_full(v, corr)
    out = jnp.transpose(V, (0, 3, 1, 2))  # [B,L,H,E]
    return out

if __name__ == "__main__":
    import jax
    _d = setup_inputs()
    print(jax.jit(kernel)(*tuple(_d.values())))

</pallas_src>

<mosaic_0001>
module attributes {stable_mosaic.version = 14 : i64} {
  func.func @_autocorr_body(%arg0: i32, %arg1: memref<128x16x128xf32, #tpu.memory_space<vmem>>, %arg2: memref<128x16x128xf32, #tpu.memory_space<vmem>>, %arg3: memref<128x16x128xf32, #tpu.memory_space<vmem>>, %arg4: memref<16x32xbf16, #tpu.memory_space<vmem>>, %arg5: memref<48x32xbf16, #tpu.memory_space<vmem>>, %arg6: memref<256x256xbf16, #tpu.memory_space<vmem>>, %arg7: memref<768x256xbf16, #tpu.memory_space<vmem>>, %arg8: memref<256x256xbf16, #tpu.memory_space<vmem>>, %arg9: memref<768x256xbf16, #tpu.memory_space<vmem>>, %arg10: memref<32x16xbf16, #tpu.memory_space<vmem>>, %arg11: memref<96x16xbf16, #tpu.memory_space<vmem>>, %arg12: memref<1x16x128xf32, #tpu.memory_space<vmem>>, %arg13: memref<1x16x128xf32, #tpu.memory_space<vmem>>, %arg14: memref<128x16x128xf32, #tpu.memory_space<vmem>>) attributes {dimension_semantics = [#tpu.dimension_semantics<arbitrary>], iteration_bounds = array<i64: 32>, scalar_prefetch = 0 : i64, scratch_operands = 0 : i64, tpu.core_type = #tpu.core_type<tc>, window_params = [{transform_indices = @transform_0, window_bounds = array<i64: 128, 16, 128>}, {transform_indices = @transform_1, window_bounds = array<i64: 128, 16, 128>}, {transform_indices = @transform_2, window_bounds = array<i64: 128, 16, 128>}, {pipeline_mode = #tpu.pipeline_mode<synchronous>, transform_indices = @transform_3, window_bounds = array<i64: 16, 32>}, {pipeline_mode = #tpu.pipeline_mode<synchronous>, transform_indices = @transform_4, window_bounds = array<i64: 48, 32>}, {pipeline_mode = #tpu.pipeline_mode<synchronous>, transform_indices = @transform_5, window_bounds = array<i64: 256, 256>}, {pipeline_mode = #tpu.pipeline_mode<synchronous>, transform_indices = @transform_6, window_bounds = array<i64: 768, 256>}, {pipeline_mode = #tpu.pipeline_mode<synchronous>, transform_indices = @transform_7, window_bounds = array<i64: 256, 256>}, {pipeline_mode = #tpu.pipeline_mode<synchronous>, transform_indices = @transform_8, window_bounds = array<i64: 768, 256>}, {pipeline_mode = #tpu.pipeline_mode<synchronous>, transform_indices = @transform_9, window_bounds = array<i64: 32, 16>}, {pipeline_mode = #tpu.pipeline_mode<synchronous>, transform_indices = @transform_10, window_bounds = array<i64: 96, 16>}, {pipeline_mode = #tpu.pipeline_mode<synchronous>, transform_indices = @transform_11, window_bounds = array<i64: 1, 16, 128>}, {pipeline_mode = #tpu.pipeline_mode<synchronous>, transform_indices = @transform_12, window_bounds = array<i64: 1, 16, 128>}, {transform_indices = @transform_13, window_bounds = array<i64: 128, 16, 128>}]} {
    %get3A = arith.constant 0 : index
    %get3A_0 = arith.constant 0 : index
    %get3A_1 = vector.load %arg4[%get3A, %get3A_0] : memref<16x32xbf16, #tpu.memory_space<vmem>>, vector<16x32xbf16>
    %get3A_2 = arith.constant 0 : index
    %get3A_3 = arith.constant 0 : index
    %get3A_4 = vector.load %arg5[%get3A_2, %get3A_3] : memref<48x32xbf16, #tpu.memory_space<vmem>>, vector<48x32xbf16>
    %get3A_5 = arith.constant 0 : index
    %get3A_6 = arith.constant 0 : index
    %get3A_7 = vector.load %arg6[%get3A_5, %get3A_6] : memref<256x256xbf16, #tpu.memory_space<vmem>>, vector<256x256xbf16>
    %get3A_8 = arith.constant 0 : index
    %get3A_9 = arith.constant 0 : index
    %get3A_10 = vector.load %arg7[%get3A_8, %get3A_9] : memref<768x256xbf16, #tpu.memory_space<vmem>>, vector<768x256xbf16>
    %get3A_11 = arith.constant 0 : index
    %get3A_12 = arith.constant 0 : index
    %get3A_13 = vector.load %arg8[%get3A_11, %get3A_12] : memref<256x256xbf16, #tpu.memory_space<vmem>>, vector<256x256xbf16>
    %get3A_14 = arith.constant 0 : index
    %get3A_15 = arith.constant 0 : index
    %get3A_16 = vector.load %arg9[%get3A_14, %get3A_15] : memref<768x256xbf16, #tpu.memory_space<vmem>>, vector<768x256xbf16>
    %get3A_17 = arith.constant 0 : index
    %get3A_18 = arith.constant 0 : index
    %get3A_19 = vector.load %arg10[%get3A_17, %get3A_18] : memref<32x16xbf16, #tpu.memory_space<vmem>>, vector<32x16xbf16>
    %get3A_20 = arith.constant 0 : index
    %get3A_21 = arith.constant 0 : index
    %get3A_22 = vector.load %arg11[%get3A_20, %get3A_21] : memref<96x16xbf16, #tpu.memory_space<vmem>>, vector<96x16xbf16>
    %get3A_23 = arith.constant 0 : index
    %get3A_24 = arith.constant 0 : index
    %get3A_25 = arith.constant 0 : index
    %get3A_26 = vector.load %arg12[%get3A_23, %get3A_24, %get3A_25] : memref<1x16x128xf32, #tpu.memory_space<vmem>>, vector<1x16x128xf32>
    %get3A_27 = arith.constant 0 : index
    %get3A_28 = arith.constant 0 : index
    %get3A_29 = arith.constant 0 : index
    %get3A_30 = vector.load %arg13[%get3A_27, %get3A_28, %get3A_29] : memref<1x16x128xf32, #tpu.memory_space<vmem>>, vector<1x16x128xf32>
    %get3A_31 = arith.constant 0 : index
    %get3A_32 = arith.constant 0 : index
    %get3A_33 = arith.constant 0 : index
    %get3A_34 = vector.load %arg1[%get3A_31, %get3A_32, %get3A_33] : memref<128x16x128xf32, #tpu.memory_space<vmem>>, vector<128x16x128xf32>
    %convert_element_type3A = arith.truncf %get3A_34 : vector<128x16x128xf32> to vector<128x16x128xbf16>
    %convert_element_type3A_35 = arith.extf %convert_element_type3A : vector<128x16x128xbf16> to vector<128x16x128xf32>
    %sub3A = arith.subf %get3A_34, %convert_element_type3A_35 : vector<128x16x128xf32>
    %convert_element_type3A_36 = arith.truncf %sub3A : vector<128x16x128xf32> to vector<128x16x128xbf16>
    %transpose3A = tpu.transpose %convert_element_type3A, [0, 2, 1] : vector<128x16x128xbf16> -> vector<128x128x16xbf16>
    %transpose3A_37 = tpu.transpose %convert_element_type3A_36, [0, 2, 1] : vector<128x16x128xbf16> -> vector<128x128x16xbf16>
    %concatenate3A = tpu.concatenate %transpose3A, %transpose3A, %transpose3A_37 in 2 : vector<128x128x16xbf16>, vector<128x128x16xbf16>, vector<128x128x16xbf16> -> vector<128x128x48xbf16>
    %reshape3A = vector.shape_cast %concatenate3A : vector<128x128x48xbf16> to vector<16384x48xbf16>
    %dot_general3A = arith.constant dense<0.000000e+00> : vector<16384x32xf32>
    %dot_general3A_38 = tpu.matmul %reshape3A, %get3A_4, %dot_general3A {dimension_numbers = #tpu.dot_dimension_numbers<[1], [0], [0], [1], [0, 0, 1, 1], [], []>, transpose_lhs_hint = false} : vector<16384x48xbf16>, vector<48x32xbf16>, vector<16384x32xf32> -> vector<16384x32xf32>
    %reshape3A_39 = vector.shape_cast %dot_general3A_38 : vector<16384x32xf32> to vector<128x128x32xf32>
    %transpose3A_40 = tpu.transpose %reshape3A_39, [0, 2, 1] : vector<128x128x32xf32> -> vector<128x32x128xf32>
    %slice3A = vector.extract_strided_slice %transpose3A_40 {offsets = [0, 0, 0], sizes = [128, 16, 128], strides = [1, 1, 1]} : vector<128x32x128xf32> to vector<128x16x128xf32>
    %slice3A_41 = vector.extract_strided_slice %transpose3A_40 {offsets = [0, 16, 0], sizes = [128, 16, 128], strides = [1, 1, 1]} : vector<128x32x128xf32> to vector<128x16x128xf32>
    %mul3A = vector.broadcast %get3A_26 : vector<1x16x128xf32> to vector<128x16x128xf32>
    %mul3A_42 = arith.mulf %slice3A, %mul3A : vector<128x16x128xf32>
    %mul3A_43 = vector.broadcast %get3A_30 : vector<1x16x128xf32> to vector<128x16x128xf32>
    %mul3A_44 = arith.mulf %slice3A_41, %mul3A_43 : vector<128x16x128xf32>
    %add3A = arith.addf %mul3A_42, %mul3A_44 : vector<128x16x128xf32>
    %mul3A_45 = vector.broadcast %get3A_26 : vector<1x16x128xf32> to vector<128x16x128xf32>
    %mul3A_46 = arith.mulf %slice3A_41, %mul3A_45 : vector<128x16x128xf32>
    %mul3A_47 = vector.broadcast %get3A_30 : vector<1x16x128xf32> to vector<128x16x128xf32>
    %mul3A_48 = arith.mulf %slice3A, %mul3A_47 : vector<128x16x128xf32>
    %sub3A_49 = arith.subf %mul3A_46, %mul3A_48 : vector<128x16x128xf32>
    %convert_element_type3A_50 = arith.truncf %add3A : vector<128x16x128xf32> to vector<128x16x128xbf16>
    %convert_element_type3A_51 = arith.extf %convert_element_type3A_50 : vector<128x16x128xbf16> to vector<128x16x128xf32>
    %sub3A_52 = arith.subf %add3A, %convert_element_type3A_51 : vector<128x16x128xf32>
    %convert_element_type3A_53 = arith.truncf %sub3A_52 : vector<128x16x128xf32> to vector<128x16x128xbf16>
    %convert_element_type3A_54 = arith.truncf %sub3A_49 : vector<128x16x128xf32> to vector<128x16x128xbf16>
    %convert_element_type3A_55 = arith.extf %convert_element_type3A_54 : vector<128x16x128xbf16> to vector<128x16x128xf32>
    %sub3A_56 = arith.subf %sub3A_49, %convert_element_type3A_55 : vector<128x16x128xf32>
    %convert_element_type3A_57 = arith.truncf %sub3A_56 : vector<128x16x128xf32> to vector<128x16x128xbf16>
    %concatenate3A_58 = tpu.concatenate %convert_element_type3A_50, %convert_element_type3A_54, %convert_element_type3A_50, %convert_element_type3A_54, %convert_element_type3A_53, %convert_element_type3A_57 in 2 : vector<128x16x128xbf16>, vector<128x16x128xbf16>, vector<128x16x128xbf16>, vector<128x16x128xbf16>, vector<128x16x128xbf16>, vector<128x16x128xbf16> -> vector<128x16x768xbf16>
    %reshape3A_59 = vector.shape_cast %concatenate3A_58 : vector<128x16x768xbf16> to vector<2048x768xbf16>
    %dot_general3A_60 = arith.constant dense<0.000000e+00> : vector<2048x256xf32>
    %dot_general3A_61 = tpu.matmul %reshape3A_59, %get3A_10, %dot_general3A_60 {dimension_numbers = #tpu.dot_dimension_numbers<[1], [0], [0], [1], [0, 0, 1, 1], [], []>, transpose_lhs_hint = false} : vector<2048x768xbf16>, vector<768x256xbf16>, vector<2048x256xf32> -> vector<2048x256xf32>
    %reshape3A_62 = vector.shape_cast %dot_general3A_61 : vector<2048x256xf32> to vector<128x16x256xf32>
    %slice3A_63 = vector.extract_strided_slice %reshape3A_62 {offsets = [0, 0, 0], sizes = [128, 16, 128], strides = [1, 1, 1]} : vector<128x16x256xf32> to vector<128x16x128xf32>
    %slice3A_64 = vector.extract_strided_slice %reshape3A_62 {offsets = [0, 0, 128], sizes = [128, 16, 128], strides = [1, 1, 1]} : vector<128x16x256xf32> to vector<128x16x128xf32>
    %get3A_65 = arith.constant 0 : index
    %get3A_66 = arith.constant 0 : index
    %get3A_67 = arith.constant 0 : index
    %get3A_68 = vector.load %arg2[%get3A_65, %get3A_66, %get3A_67] : memref<128x16x128xf32, #tpu.memory_space<vmem>>, vector<128x16x128xf32>
    %convert_element_type3A_69 = arith.truncf %get3A_68 : vector<128x16x128xf32> to vector<128x16x128xbf16>
    %convert_element_type3A_70 = arith.extf %convert_element_type3A_69 : vector<128x16x128xbf16> to vector<128x16x128xf32>
    %sub3A_71 = arith.subf %get3A_68, %convert_element_type3A_70 : vector<128x16x128xf32>
    %convert_element_type3A_72 = arith.truncf %sub3A_71 : vector<128x16x128xf32> to vector<128x16x128xbf16>
    %transpose3A_73 = tpu.transpose %convert_element_type3A_69, [0, 2, 1] : vector<128x16x128xbf16> -> vector<128x128x16xbf16>
    %transpose3A_74 = tpu.transpose %convert_element_type3A_72, [0, 2, 1] : vector<128x16x128xbf16> -> vector<128x128x16xbf16>
    %concatenate3A_75 = tpu.concatenate %transpose3A_73, %transpose3A_73, %transpose3A_74 in 2 : vector<128x128x16xbf16>, vector<128x128x16xbf16>, vector<128x128x16xbf16> -> vector<128x128x48xbf16>
    %reshape3A_76 = vector.shape_cast %concatenate3A_75 : vector<128x128x48xbf16> to vector<16384x48xbf16>
    %dot_general3A_77 = arith.constant dense<0.000000e+00> : vector<16384x32xf32>
    %dot_general3A_78 = tpu.matmul %reshape3A_76, %get3A_4, %dot_general3A_77 {dimension_numbers = #tpu.dot_dimension_numbers<[1], [0], [0], [1], [0, 0, 1, 1], [], []>, transpose_lhs_hint = false} : vector<16384x48xbf16>, vector<48x32xbf16>, vector<16384x32xf32> -> vector<16384x32xf32>
    %reshape3A_79 = vector.shape_cast %dot_general3A_78 : vector<16384x32xf32> to vector<128x128x32xf32>
    %transpose3A_80 = tpu.transpose %reshape3A_79, [0, 2, 1] : vector<128x128x32xf32> -> vector<128x32x128xf32>
    %slice3A_81 = vector.extract_strided_slice %transpose3A_80 {offsets = [0, 0, 0], sizes = [128, 16, 128], strides = [1, 1, 1]} : vector<128x32x128xf32> to vector<128x16x128xf32>
    %slice3A_82 = vector.extract_strided_slice %transpose3A_80 {offsets = [0, 16, 0], sizes = [128, 16, 128], strides = [1, 1, 1]} : vector<128x32x128xf32> to vector<128x16x128xf32>
    %mul3A_83 = vector.broadcast %get3A_26 : vector<1x16x128xf32> to vector<128x16x128xf32>
    %mul3A_84 = arith.mulf %slice3A_81, %mul3A_83 : vector<128x16x128xf32>
    %mul3A_85 = vector.broadcast %get3A_30 : vector<1x16x128xf32> to vector<128x16x128xf32>
    %mul3A_86 = arith.mulf %slice3A_82, %mul3A_85 : vector<128x16x128xf32>
    %add3A_87 = arith.addf %mul3A_84, %mul3A_86 : vector<128x16x128xf32>
    %mul3A_88 = vector.broadcast %get3A_26 : vector<1x16x128xf32> to vector<128x16x128xf32>
    %mul3A_89 = arith.mulf %slice3A_82, %mul3A_88 : vector<128x16x128xf32>
    %mul3A_90 = vector.broadcast %get3A_30 : vector<1x16x128xf32> to vector<128x16x128xf32>
    %mul3A_91 = arith.mulf %slice3A_81, %mul3A_90 : vector<128x16x128xf32>
    %sub3A_92 = arith.subf %mul3A_89, %mul3A_91 : vector<128x16x128xf32>
    %convert_element_type3A_93 = arith.truncf %add3A_87 : vector<128x16x128xf32> to vector<128x16x128xbf16>
    %convert_element_type3A_94 = arith.extf %convert_element_type3A_93 : vector<128x16x128xbf16> to vector<128x16x128xf32>
    %sub3A_95 = arith.subf %add3A_87, %convert_element_type3A_94 : vector<128x16x128xf32>
    %convert_element_type3A_96 = arith.truncf %sub3A_95 : vector<128x16x128xf32> to vector<128x16x128xbf16>
    %convert_element_type3A_97 = arith.truncf %sub3A_92 : vector<128x16x128xf32> to vector<128x16x128xbf16>
    %convert_element_type3A_98 = arith.extf %convert_element_type3A_97 : vector<128x16x128xbf16> to vector<128x16x128xf32>
    %sub3A_99 = arith.subf %sub3A_92, %convert_element_type3A_98 : vector<128x16x128xf32>
    %convert_element_type3A_100 = arith.truncf %sub3A_99 : vector<128x16x128xf32> to vector<128x16x128xbf16>
    %concatenate3A_101 = tpu.concatenate %convert_element_type3A_93, %convert_element_type3A_97, %convert_element_type3A_93, %convert_element_type3A_97, %convert_element_type3A_96, %convert_element_type3A_100 in 2 : vector<128x16x128xbf16>, vector<128x16x128xbf16>, vector<128x16x128xbf16>, vector<128x16x128xbf16>, vector<128x16x128xbf16>, vector<128x16x128xbf16> -> vector<128x16x768xbf16>
    %reshape3A_102 = vector.shape_cast %concatenate3A_101 : vector<128x16x768xbf16> to vector<2048x768xbf16>
    %dot_general3A_103 = arith.constant dense<0.000000e+00> : vector<2048x256xf32>
    %dot_general3A_104 = tpu.matmul %reshape3A_102, %get3A_10, %dot_general3A_103 {dimension_numbers = #tpu.dot_dimension_numbers<[1], [0], [0], [1], [0, 0, 1, 1], [], []>, transpose_lhs_hint = false} : vector<2048x768xbf16>, vector<768x256xbf16>, vector<2048x256xf32> -> vector<2048x256xf32>
    %reshape3A_105 = vector.shape_cast %dot_general3A_104 : vector<2048x256xf32> to vector<128x16x256xf32>
    %slice3A_106 = vector.extract_strided_slice %reshape3A_105 {offsets = [0, 0, 0], sizes = [128, 16, 128], strides = [1, 1, 1]} : vector<128x16x256xf32> to vector<128x16x128xf32>
    %slice3A_107 = vector.extract_strided_slice %reshape3A_105 {offsets = [0, 0, 128], sizes = [128, 16, 128], strides = [1, 1, 1]} : vector<128x16x256xf32> to vector<128x16x128xf32>
    %mul3A_108 = arith.mulf %slice3A_63, %slice3A_106 : vector<128x16x128xf32>
    %mul3A_109 = arith.mulf %slice3A_64, %slice3A_107 : vector<128x16x128xf32>
    %add3A_110 = arith.addf %mul3A_108, %mul3A_109 : vector<128x16x128xf32>
    %mul3A_111 = arith.mulf %slice3A_64, %slice3A_106 : vector<128x16x128xf32>
    %mul3A_112 = arith.mulf %slice3A_63, %slice3A_107 : vector<128x16x128xf32>
    %sub3A_113 = arith.subf %mul3A_111, %mul3A_112 : vector<128x16x128xf32>
    %convert_element_type3A_114 = arith.truncf %add3A_110 : vector<128x16x128xf32> to vector<128x16x128xbf16>
    %convert_element_type3A_115 = arith.extf %convert_element_type3A_114 : vector<128x16x128xbf16> to vector<128x16x128xf32>
    %sub3A_116 = arith.subf %add3A_110, %convert_element_type3A_115 : vector<128x16x128xf32>
    %convert_element_type3A_117 = arith.truncf %sub3A_116 : vector<128x16x128xf32> to vector<128x16x128xbf16>
    %convert_element_type3A_118 = arith.truncf %sub3A_113 : vector<128x16x128xf32> to vector<128x16x128xbf16>
    %convert_element_type3A_119 = arith.extf %convert_element_type3A_118 : vector<128x16x128xbf16> to vector<128x16x128xf32>
    %sub3A_120 = arith.subf %sub3A_113, %convert_element_type3A_119 : vector<128x16x128xf32>
    %convert_element_type3A_121 = arith.truncf %sub3A_120 : vector<128x16x128xf32> to vector<128x16x128xbf16>
    %concatenate3A_122 = tpu.concatenate %convert_element_type3A_114, %convert_element_type3A_118, %convert_element_type3A_114, %convert_element_type3A_118, %convert_element_type3A_117, %convert_element_type3A_121 in 2 : vector<128x16x128xbf16>, vector<128x16x128xbf16>, vector<128x16x128xbf16>, vector<128x16x128xbf16>, vector<128x16x128xbf16>, vector<128x16x128xbf16> -> vector<128x16x768xbf16>
    %reshape3A_123 = vector.shape_cast %concatenate3A_122 : vector<128x16x768xbf16> to vector<2048x768xbf16>
    %dot_general3A_124 = arith.constant dense<0.000000e+00> : vector<2048x256xf32>
    %dot_general3A_125 = tpu.matmul %reshape3A_123, %get3A_16, %dot_general3A_124 {dimension_numbers = #tpu.dot_dimension_numbers<[1], [0], [0], [1], [0, 0, 1, 1], [], []>, transpose_lhs_hint = false} : vector<2048x768xbf16>, vector<768x256xbf16>, vector<2048x256xf32> -> vector<2048x256xf32>
    %reshape3A_126 = vector.shape_cast %dot_general3A_125 : vector<2048x256xf32> to vector<128x16x256xf32>
    %slice3A_127 = vector.extract_strided_slice %reshape3A_126 {offsets = [0, 0, 0], sizes = [128, 16, 128], strides = [1, 1, 1]} : vector<128x16x256xf32> to vector<128x16x128xf32>
    %slice3A_128 = vector.extract_strided_slice %reshape3A_126 {offsets = [0, 0, 128], sizes = [128, 16, 128], strides = [1, 1, 1]} : vector<128x16x256xf32> to vector<128x16x128xf32>
    %mul3A_129 = vector.broadcast %get3A_26 : vector<1x16x128xf32> to vector<128x16x128xf32>
    %mul3A_130 = arith.mulf %slice3A_127, %mul3A_129 : vector<128x16x128xf32>
    %mul3A_131 = vector.broadcast %get3A_30 : vector<1x16x128xf32> to vector<128x16x128xf32>
    %mul3A_132 = arith.mulf %slice3A_128, %mul3A_131 : vector<128x16x128xf32>
    %sub3A_133 = arith.subf %mul3A_130, %mul3A_132 : vector<128x16x128xf32>
    %mul3A_134 = vector.broadcast %get3A_30 : vector<1x16x128xf32> to vector<128x16x128xf32>
    %mul3A_135 = arith.mulf %slice3A_127, %mul3A_134 : vector<128x16x128xf32>
    %mul3A_136 = vector.broadcast %get3A_26 : vector<1x16x128xf32> to vector<128x16x128xf32>
    %mul3A_137 = arith.mulf %slice3A_128, %mul3A_136 : vector<128x16x128xf32>
    %add3A_138 = arith.addf %mul3A_135, %mul3A_137 : vector<128x16x128xf32>
    %convert_element_type3A_139 = arith.truncf %sub3A_133 : vector<128x16x128xf32> to vector<128x16x128xbf16>
    %convert_element_type3A_140 = arith.extf %convert_element_type3A_139 : vector<128x16x128xbf16> to vector<128x16x128xf32>
    %sub3A_141 = arith.subf %sub3A_133, %convert_element_type3A_140 : vector<128x16x128xf32>
    %convert_element_type3A_142 = arith.truncf %sub3A_141 : vector<128x16x128xf32> to vector<128x16x128xbf16>
    %convert_element_type3A_143 = arith.truncf %add3A_138 : vector<128x16x128xf32> to vector<128x16x128xbf16>
    %convert_element_type3A_144 = arith.extf %convert_element_type3A_143 : vector<128x16x128xbf16> to vector<128x16x128xf32>
    %sub3A_145 = arith.subf %add3A_138, %convert_element_type3A_144 : vector<128x16x128xf32>
    %convert_element_type3A_146 = arith.truncf %sub3A_145 : vector<128x16x128xf32> to vector<128x16x128xbf16>
    %concatenate3A_147 = tpu.concatenate %convert_element_type3A_139, %convert_element_type3A_143 in 1 : vector<128x16x128xbf16>, vector<128x16x128xbf16> -> vector<128x32x128xbf16>
    %transpose3A_148 = tpu.transpose %concatenate3A_147, [0, 2, 1] : vector<128x32x128xbf16> -> vector<128x128x32xbf16>
    %concatenate3A_149 = tpu.concatenate %convert_element_type3A_142, %convert_element_type3A_146 in 1 : vector<128x16x128xbf16>, vector<128x16x128xbf16> -> vector<128x32x128xbf16>
    %transpose3A_150 = tpu.transpose %concatenate3A_149, [0, 2, 1] : vector<128x32x128xbf16> -> vector<128x128x32xbf16>
    %concatenate3A_151 = tpu.concatenate %transpose3A_148, %transpose3A_148, %transpose3A_150 in 2 : vector<128x128x32xbf16>, vector<128x128x32xbf16>, vector<128x128x32xbf16> -> vector<128x128x96xbf16>
    %reshape3A_152 = vector.shape_cast %concatenate3A_151 : vector<128x128x96xbf16> to vector<16384x96xbf16>
    %dot_general3A_153 = arith.constant dense<0.000000e+00> : vector<16384x16xf32>
    %dot_general3A_154 = tpu.matmul %reshape3A_152, %get3A_22, %dot_general3A_153 {dimension_numbers = #tpu.dot_dimension_numbers<[1], [0], [0], [1], [0, 0, 1, 1], [], []>, transpose_lhs_hint = false} : vector<16384x96xbf16>, vector<96x16xbf16>, vector<16384x16xf32> -> vector<16384x16xf32>
    %reshape3A_155 = vector.shape_cast %dot_general3A_154 : vector<16384x16xf32> to vector<128x128x16xf32>
    %transpose3A_156 = tpu.transpose %reshape3A_155, [0, 2, 1] : vector<128x128x16xf32> -> vector<128x16x128xf32>
    %iota3A = tpu.iota {dimensions = array<i32: 1>} : vector<128x16x128xi32>
    %mul3A_157 = arith.constant 128 : i32
    %mul3A_158 = vector.broadcast %mul3A_157 : i32 to vector<128x16x128xi32>
    %mul3A_159 = arith.muli %mul3A_158, %iota3A : vector<128x16x128xi32>
    %iota3A_160 = tpu.iota {dimensions = array<i32: 2>} : vector<128x16x128xi32>
    %add3A_161 = arith.addi %mul3A_159, %iota3A_160 : vector<128x16x128xi32>
    %reduce_max3A = arith.constant dense<0xFF800000> : vector<128x128xf32>
    %reduce_max3A_162 = vector.multi_reduction <maximumf>, %transpose3A_156, %reduce_max3A [1] : vector<128x16x128xf32> to vector<128x128xf32>
    %broadcast_in_dim3A = vector.shape_cast %reduce_max3A_162 : vector<128x128xf32> to vector<128x1x128xf32>
    %reduce_max3A_163 = arith.constant dense<0xFF800000> : vector<128x1xf32>
    %reduce_max3A_164 = vector.multi_reduction <maximumf>, %broadcast_in_dim3A, %reduce_max3A_163 [2] : vector<128x1x128xf32> to vector<128x1xf32>
    %broadcast_in_dim3A_165 = vector.shape_cast %reduce_max3A_164 : vector<128x1xf32> to vector<128x1x1xf32>
    %eq3A = vector.broadcast %broadcast_in_dim3A_165 : vector<128x1x1xf32> to vector<128x16x128xf32>
    %eq3A_166 = arith.cmpf oeq, %transpose3A_156, %eq3A : vector<128x16x128xf32>
    %jit3A = arith.constant 2048 : i32
    %broadcast_in_dim3A_167 = vector.broadcast %jit3A : i32 to vector<128x16x128xi32>
    %select_n3A = arith.select %eq3A_166, %add3A_161, %broadcast_in_dim3A_167 : vector<128x16x128xi1>, vector<128x16x128xi32>
    %reduce_min3A = arith.constant dense<2147483647> : vector<128x128xi32>
    %reduce_min3A_168 = vector.multi_reduction <minsi>, %select_n3A, %reduce_min3A [1] : vector<128x16x128xi32> to vector<128x128xi32>
    %broadcast_in_dim3A_169 = vector.shape_cast %reduce_min3A_168 : vector<128x128xi32> to vector<128x1x128xi32>
    %reduce_min3A_170 = arith.constant dense<2147483647> : vector<128x1xi32>
    %reduce_min3A_171 = vector.multi_reduction <minsi>, %broadcast_in_dim3A_169, %reduce_min3A_170 [2] : vector<128x1x128xi32> to vector<128x1xi32>
    %broadcast_in_dim3A_172 = vector.shape_cast %reduce_min3A_171 : vector<128x1xi32> to vector<128x1x1xi32>
    %eq3A_173 = vector.broadcast %broadcast_in_dim3A_172 : vector<128x1x1xi32> to vector<128x16x128xi32>
    %eq3A_174 = arith.cmpi eq, %add3A_161, %eq3A_173 : vector<128x16x128xi32>
    %jit3A_175 = arith.constant 0xFF800000 : f32
    %broadcast_in_dim3A_176 = vector.broadcast %jit3A_175 : f32 to vector<128x16x128xf32>
    %select_n3A_177 = arith.select %eq3A_174, %broadcast_in_dim3A_176, %transpose3A_156 : vector<128x16x128xi1>, vector<128x16x128xf32>
    %reduce_max3A_178 = arith.constant dense<0xFF800000> : vector<128x128xf32>
    %reduce_max3A_179 = vector.multi_reduction <maximumf>, %select_n3A_177, %reduce_max3A_178 [1] : vector<128x16x128xf32> to vector<128x128xf32>
    %broadcast_in_dim3A_180 = vector.shape_cast %reduce_max3A_179 : vector<128x128xf32> to vector<128x1x128xf32>
    %reduce_max3A_181 = arith.constant dense<0xFF800000> : vector<128x1xf32>
    %reduce_max3A_182 = vector.multi_reduction <maximumf>, %broadcast_in_dim3A_180, %reduce_max3A_181 [2] : vector<128x1x128xf32> to vector<128x1xf32>
    %broadcast_in_dim3A_183 = vector.shape_cast %reduce_max3A_182 : vector<128x1xf32> to vector<128x1x1xf32>
    %eq3A_184 = vector.broadcast %broadcast_in_dim3A_183 : vector<128x1x1xf32> to vector<128x16x128xf32>
    %eq3A_185 = arith.cmpf oeq, %select_n3A_177, %eq3A_184 : vector<128x16x128xf32>
    %jit3A_186 = arith.constant 2048 : i32
    %broadcast_in_dim3A_187 = vector.broadcast %jit3A_186 : i32 to vector<128x16x128xi32>
    %select_n3A_188 = arith.select %eq3A_185, %add3A_161, %broadcast_in_dim3A_187 : vector<128x16x128xi1>, vector<128x16x128xi32>
    %reduce_min3A_189 = arith.constant dense<2147483647> : vector<128x128xi32>
    %reduce_min3A_190 = vector.multi_reduction <minsi>, %select_n3A_188, %reduce_min3A_189 [1] : vector<128x16x128xi32> to vector<128x128xi32>
    %broadcast_in_dim3A_191 = vector.shape_cast %reduce_min3A_190 : vector<128x128xi32> to vector<128x1x128xi32>
    %reduce_min3A_192 = arith.constant dense<2147483647> : vector<128x1xi32>
    %reduce_min3A_193 = vector.multi_reduction <minsi>, %broadcast_in_dim3A_191, %reduce_min3A_192 [2] : vector<128x1x128xi32> to vector<128x1xi32>
    %broadcast_in_dim3A_194 = vector.shape_cast %reduce_min3A_193 : vector<128x1xi32> to vector<128x1x1xi32>
    %eq3A_195 = vector.broadcast %broadcast_in_dim3A_194 : vector<128x1x1xi32> to vector<128x16x128xi32>
    %eq3A_196 = arith.cmpi eq, %add3A_161, %eq3A_195 : vector<128x16x128xi32>
    %jit3A_197 = arith.constant 0xFF800000 : f32
    %broadcast_in_dim3A_198 = vector.broadcast %jit3A_197 : f32 to vector<128x16x128xf32>
    %select_n3A_199 = arith.select %eq3A_196, %broadcast_in_dim3A_198, %select_n3A_177 : vector<128x16x128xi1>, vector<128x16x128xf32>
    %reduce_max3A_200 = arith.constant dense<0xFF800000> : vector<128x128xf32>
    %reduce_max3A_201 = vector.multi_reduction <maximumf>, %select_n3A_199, %reduce_max3A_200 [1] : vector<128x16x128xf32> to vector<128x128xf32>
    %broadcast_in_dim3A_202 = vector.shape_cast %reduce_max3A_201 : vector<128x128xf32> to vector<128x1x128xf32>
    %reduce_max3A_203 = arith.constant dense<0xFF800000> : vector<128x1xf32>
    %reduce_max3A_204 = vector.multi_reduction <maximumf>, %broadcast_in_dim3A_202, %reduce_max3A_203 [2] : vector<128x1x128xf32> to vector<128x1xf32>
    %broadcast_in_dim3A_205 = vector.shape_cast %reduce_max3A_204 : vector<128x1xf32> to vector<128x1x1xf32>
    %eq3A_206 = vector.broadcast %broadcast_in_dim3A_205 : vector<128x1x1xf32> to vector<128x16x128xf32>
    %eq3A_207 = arith.cmpf oeq, %select_n3A_199, %eq3A_206 : vector<128x16x128xf32>
    %jit3A_208 = arith.constant 2048 : i32
    %broadcast_in_dim3A_209 = vector.broadcast %jit3A_208 : i32 to vector<128x16x128xi32>
    %select_n3A_210 = arith.select %eq3A_207, %add3A_161, %broadcast_in_dim3A_209 : vector<128x16x128xi1>, vector<128x16x128xi32>
    %reduce_min3A_211 = arith.constant dense<2147483647> : vector<128x128xi32>
    %reduce_min3A_212 = vector.multi_reduction <minsi>, %select_n3A_210, %reduce_min3A_211 [1] : vector<128x16x128xi32> to vector<128x128xi32>
    %broadcast_in_dim3A_213 = vector.shape_cast %reduce_min3A_212 : vector<128x128xi32> to vector<128x1x128xi32>
    %reduce_min3A_214 = arith.constant dense<2147483647> : vector<128x1xi32>
    %reduce_min3A_215 = vector.multi_reduction <minsi>, %broadcast_in_dim3A_213, %reduce_min3A_214 [2] : vector<128x1x128xi32> to vector<128x1xi32>
    %broadcast_in_dim3A_216 = vector.shape_cast %reduce_min3A_215 : vector<128x1xi32> to vector<128x1x1xi32>
    %eq3A_217 = vector.broadcast %broadcast_in_dim3A_216 : vector<128x1x1xi32> to vector<128x16x128xi32>
    %eq3A_218 = arith.cmpi eq, %add3A_161, %eq3A_217 : vector<128x16x128xi32>
    %jit3A_219 = arith.constant 0xFF800000 : f32
    %broadcast_in_dim3A_220 = vector.broadcast %jit3A_219 : f32 to vector<128x16x128xf32>
    %select_n3A_221 = arith.select %eq3A_218, %broadcast_in_dim3A_220, %select_n3A_199 : vector<128x16x128xi1>, vector<128x16x128xf32>
    %reduce_max3A_222 = arith.constant dense<0xFF800000> : vector<128x128xf32>
    %reduce_max3A_223 = vector.multi_reduction <maximumf>, %select_n3A_221, %reduce_max3A_222 [1] : vector<128x16x128xf32> to vector<128x128xf32>
    %broadcast_in_dim3A_224 = vector.shape_cast %reduce_max3A_223 : vector<128x128xf32> to vector<128x1x128xf32>
    %reduce_max3A_225 = arith.constant dense<0xFF800000> : vector<128x1xf32>
    %reduce_max3A_226 = vector.multi_reduction <maximumf>, %broadcast_in_dim3A_224, %reduce_max3A_225 [2] : vector<128x1x128xf32> to vector<128x1xf32>
    %broadcast_in_dim3A_227 = vector.shape_cast %reduce_max3A_226 : vector<128x1xf32> to vector<128x1x1xf32>
    %eq3A_228 = vector.broadcast %broadcast_in_dim3A_227 : vector<128x1x1xf32> to vector<128x16x128xf32>
    %eq3A_229 = arith.cmpf oeq, %select_n3A_221, %eq3A_228 : vector<128x16x128xf32>
    %jit3A_230 = arith.constant 2048 : i32
    %broadcast_in_dim3A_231 = vector.broadcast %jit3A_230 : i32 to vector<128x16x128xi32>
    %select_n3A_232 = arith.select %eq3A_229, %add3A_161, %broadcast_in_dim3A_231 : vector<128x16x128xi1>, vector<128x16x128xi32>
    %reduce_min3A_233 = arith.constant dense<2147483647> : vector<128x128xi32>
    %reduce_min3A_234 = vector.multi_reduction <minsi>, %select_n3A_232, %reduce_min3A_233 [1] : vector<128x16x128xi32> to vector<128x128xi32>
    %broadcast_in_dim3A_235 = vector.shape_cast %reduce_min3A_234 : vector<128x128xi32> to vector<128x1x128xi32>
    %reduce_min3A_236 = arith.constant dense<2147483647> : vector<128x1xi32>
    %reduce_min3A_237 = vector.multi_reduction <minsi>, %broadcast_in_dim3A_235, %reduce_min3A_236 [2] : vector<128x1x128xi32> to vector<128x1xi32>
    %broadcast_in_dim3A_238 = vector.shape_cast %reduce_min3A_237 : vector<128x1xi32> to vector<128x1x1xi32>
    %eq3A_239 = vector.broadcast %broadcast_in_dim3A_238 : vector<128x1x1xi32> to vector<128x16x128xi32>
    %eq3A_240 = arith.cmpi eq, %add3A_161, %eq3A_239 : vector<128x16x128xi32>
    %jit3A_241 = arith.constant 0xFF800000 : f32
    %broadcast_in_dim3A_242 = vector.broadcast %jit3A_241 : f32 to vector<128x16x128xf32>
    %select_n3A_243 = arith.select %eq3A_240, %broadcast_in_dim3A_242, %select_n3A_221 : vector<128x16x128xi1>, vector<128x16x128xf32>
    %reduce_max3A_244 = arith.constant dense<0xFF800000> : vector<128x128xf32>
    %reduce_max3A_245 = vector.multi_reduction <maximumf>, %select_n3A_243, %reduce_max3A_244 [1] : vector<128x16x128xf32> to vector<128x128xf32>
    %broadcast_in_dim3A_246 = vector.shape_cast %reduce_max3A_245 : vector<128x128xf32> to vector<128x1x128xf32>
    %reduce_max3A_247 = arith.constant dense<0xFF800000> : vector<128x1xf32>
    %reduce_max3A_248 = vector.multi_reduction <maximumf>, %broadcast_in_dim3A_246, %reduce_max3A_247 [2] : vector<128x1x128xf32> to vector<128x1xf32>
    %broadcast_in_dim3A_249 = vector.shape_cast %reduce_max3A_248 : vector<128x1xf32> to vector<128x1x1xf32>
    %eq3A_250 = vector.broadcast %broadcast_in_dim3A_249 : vector<128x1x1xf32> to vector<128x16x128xf32>
    %eq3A_251 = arith.cmpf oeq, %select_n3A_243, %eq3A_250 : vector<128x16x128xf32>
    %jit3A_252 = arith.constant 2048 : i32
    %broadcast_in_dim3A_253 = vector.broadcast %jit3A_252 : i32 to vector<128x16x128xi32>
    %select_n3A_254 = arith.select %eq3A_251, %add3A_161, %broadcast_in_dim3A_253 : vector<128x16x128xi1>, vector<128x16x128xi32>
    %reduce_min3A_255 = arith.constant dense<2147483647> : vector<128x128xi32>
    %reduce_min3A_256 = vector.multi_reduction <minsi>, %select_n3A_254, %reduce_min3A_255 [1] : vector<128x16x128xi32> to vector<128x128xi32>
    %broadcast_in_dim3A_257 = vector.shape_cast %reduce_min3A_256 : vector<128x128xi32> to vector<128x1x128xi32>
    %reduce_min3A_258 = arith.constant dense<2147483647> : vector<128x1xi32>
    %reduce_min3A_259 = vector.multi_reduction <minsi>, %broadcast_in_dim3A_257, %reduce_min3A_258 [2] : vector<128x1x128xi32> to vector<128x1xi32>
    %broadcast_in_dim3A_260 = vector.shape_cast %reduce_min3A_259 : vector<128x1xi32> to vector<128x1x1xi32>
    %eq3A_261 = vector.broadcast %broadcast_in_dim3A_260 : vector<128x1x1xi32> to vector<128x16x128xi32>
    %eq3A_262 = arith.cmpi eq, %add3A_161, %eq3A_261 : vector<128x16x128xi32>
    %jit3A_263 = arith.constant 0xFF800000 : f32
    %broadcast_in_dim3A_264 = vector.broadcast %jit3A_263 : f32 to vector<128x16x128xf32>
    %select_n3A_265 = arith.select %eq3A_262, %broadcast_in_dim3A_264, %select_n3A_243 : vector<128x16x128xi1>, vector<128x16x128xf32>
    %reduce_max3A_266 = arith.constant dense<0xFF800000> : vector<128x128xf32>
    %reduce_max3A_267 = vector.multi_reduction <maximumf>, %select_n3A_265, %reduce_max3A_266 [1] : vector<128x16x128xf32> to vector<128x128xf32>
    %broadcast_in_dim3A_268 = vector.shape_cast %reduce_max3A_267 : vector<128x128xf32> to vector<128x1x128xf32>
    %reduce_max3A_269 = arith.constant dense<0xFF800000> : vector<128x1xf32>
    %reduce_max3A_270 = vector.multi_reduction <maximumf>, %broadcast_in_dim3A_268, %reduce_max3A_269 [2] : vector<128x1x128xf32> to vector<128x1xf32>
    %broadcast_in_dim3A_271 = vector.shape_cast %reduce_max3A_270 : vector<128x1xf32> to vector<128x1x1xf32>
    %eq3A_272 = vector.broadcast %broadcast_in_dim3A_271 : vector<128x1x1xf32> to vector<128x16x128xf32>
    %eq3A_273 = arith.cmpf oeq, %select_n3A_265, %eq3A_272 : vector<128x16x128xf32>
    %jit3A_274 = arith.constant 2048 : i32
    %broadcast_in_dim3A_275 = vector.broadcast %jit3A_274 : i32 to vector<128x16x128xi32>
    %select_n3A_276 = arith.select %eq3A_273, %add3A_161, %broadcast_in_dim3A_275 : vector<128x16x128xi1>, vector<128x16x128xi32>
    %reduce_min3A_277 = arith.constant dense<2147483647> : vector<128x128xi32>
    %reduce_min3A_278 = vector.multi_reduction <minsi>, %select_n3A_276, %reduce_min3A_277 [1] : vector<128x16x128xi32> to vector<128x128xi32>
    %broadcast_in_dim3A_279 = vector.shape_cast %reduce_min3A_278 : vector<128x128xi32> to vector<128x1x128xi32>
    %reduce_min3A_280 = arith.constant dense<2147483647> : vector<128x1xi32>
    %reduce_min3A_281 = vector.multi_reduction <minsi>, %broadcast_in_dim3A_279, %reduce_min3A_280 [2] : vector<128x1x128xi32> to vector<128x1xi32>
    %broadcast_in_dim3A_282 = vector.shape_cast %reduce_min3A_281 : vector<128x1xi32> to vector<128x1x1xi32>
    %eq3A_283 = vector.broadcast %broadcast_in_dim3A_282 : vector<128x1x1xi32> to vector<128x16x128xi32>
    %eq3A_284 = arith.cmpi eq, %add3A_161, %eq3A_283 : vector<128x16x128xi32>
    %jit3A_285 = arith.constant 0xFF800000 : f32
    %broadcast_in_dim3A_286 = vector.broadcast %jit3A_285 : f32 to vector<128x16x128xf32>
    %select_n3A_287 = arith.select %eq3A_284, %broadcast_in_dim3A_286, %select_n3A_265 : vector<128x16x128xi1>, vector<128x16x128xf32>
    %reduce_max3A_288 = arith.constant dense<0xFF800000> : vector<128x128xf32>
    %reduce_max3A_289 = vector.multi_reduction <maximumf>, %select_n3A_287, %reduce_max3A_288 [1] : vector<128x16x128xf32> to vector<128x128xf32>
    %broadcast_in_dim3A_290 = vector.shape_cast %reduce_max3A_289 : vector<128x128xf32> to vector<128x1x128xf32>
    %reduce_max3A_291 = arith.constant dense<0xFF800000> : vector<128x1xf32>
    %reduce_max3A_292 = vector.multi_reduction <maximumf>, %broadcast_in_dim3A_290, %reduce_max3A_291 [2] : vector<128x1x128xf32> to vector<128x1xf32>
    %broadcast_in_dim3A_293 = vector.shape_cast %reduce_max3A_292 : vector<128x1xf32> to vector<128x1x1xf32>
    %eq3A_294 = vector.broadcast %broadcast_in_dim3A_293 : vector<128x1x1xf32> to vector<128x16x128xf32>
    %eq3A_295 = arith.cmpf oeq, %select_n3A_287, %eq3A_294 : vector<128x16x128xf32>
    %jit3A_296 = arith.constant 2048 : i32
    %broadcast_in_dim3A_297 = vector.broadcast %jit3A_296 : i32 to vector<128x16x128xi32>
    %select_n3A_298 = arith.select %eq3A_295, %add3A_161, %broadcast_in_dim3A_297 : vector<128x16x128xi1>, vector<128x16x128xi32>
    %reduce_min3A_299 = arith.constant dense<2147483647> : vector<128x128xi32>
    %reduce_min3A_300 = vector.multi_reduction <minsi>, %select_n3A_298, %reduce_min3A_299 [1] : vector<128x16x128xi32> to vector<128x128xi32>
    %broadcast_in_dim3A_301 = vector.shape_cast %reduce_min3A_300 : vector<128x128xi32> to vector<128x1x128xi32>
    %reduce_min3A_302 = arith.constant dense<2147483647> : vector<128x1xi32>
    %reduce_min3A_303 = vector.multi_reduction <minsi>, %broadcast_in_dim3A_301, %reduce_min3A_302 [2] : vector<128x1x128xi32> to vector<128x1xi32>
    %broadcast_in_dim3A_304 = vector.shape_cast %reduce_min3A_303 : vector<128x1xi32> to vector<128x1x1xi32>
    %sub3A_305 = arith.subf %broadcast_in_dim3A_165, %broadcast_in_dim3A_165 : vector<128x1x1xf32>
    %exp3A = math.exp %sub3A_305 : vector<128x1x1xf32>
    %sub3A_306 = arith.subf %broadcast_in_dim3A_183, %broadcast_in_dim3A_165 : vector<128x1x1xf32>
    %exp3A_307 = math.exp %sub3A_306 : vector<128x1x1xf32>
    %sub3A_308 = arith.subf %broadcast_in_dim3A_205, %broadcast_in_dim3A_165 : vector<128x1x1xf32>
    %exp3A_309 = math.exp %sub3A_308 : vector<128x1x1xf32>
    %sub3A_310 = arith.subf %broadcast_in_dim3A_227, %broadcast_in_dim3A_165 : vector<128x1x1xf32>
    %exp3A_311 = math.exp %sub3A_310 : vector<128x1x1xf32>
    %sub3A_312 = arith.subf %broadcast_in_dim3A_249, %broadcast_in_dim3A_165 : vector<128x1x1xf32>
    %exp3A_313 = math.exp %sub3A_312 : vector<128x1x1xf32>
    %sub3A_314 = arith.subf %broadcast_in_dim3A_271, %broadcast_in_dim3A_165 : vector<128x1x1xf32>
    %exp3A_315 = math.exp %sub3A_314 : vector<128x1x1xf32>
    %sub3A_316 = arith.subf %broadcast_in_dim3A_293, %broadcast_in_dim3A_165 : vector<128x1x1xf32>
    %exp3A_317 = math.exp %sub3A_316 : vector<128x1x1xf32>
    %add3A_318 = arith.addf %exp3A, %exp3A_307 : vector<128x1x1xf32>
    %add3A_319 = arith.addf %add3A_318, %exp3A_309 : vector<128x1x1xf32>
    %add3A_320 = arith.addf %add3A_319, %exp3A_311 : vector<128x1x1xf32>
    %add3A_321 = arith.addf %add3A_320, %exp3A_313 : vector<128x1x1xf32>
    %add3A_322 = arith.addf %add3A_321, %exp3A_315 : vector<128x1x1xf32>
    %add3A_323 = arith.addf %add3A_322, %exp3A_317 : vector<128x1x1xf32>
    %broadcast_in_dim3A_324 = arith.constant 0.000000e+00 : f32
    %broadcast_in_dim3A_325 = vector.broadcast %broadcast_in_dim3A_324 : f32 to vector<128x16x128xf32>
    %eq3A_326 = vector.broadcast %broadcast_in_dim3A_172 : vector<128x1x1xi32> to vector<128x16x128xi32>
    %eq3A_327 = arith.cmpi eq, %add3A_161, %eq3A_326 : vector<128x16x128xi32>
    %div3A = arith.divf %exp3A, %add3A_323 : vector<128x1x1xf32>
    %jit3A_328 = arith.constant 0.000000e+00 : f32
    %broadcast_in_dim3A_329 = vector.shape_cast %div3A : vector<128x1x1xf32> to vector<128x1x1xf32>
    %broadcast_in_dim3A_330 = vector.broadcast %broadcast_in_dim3A_329 : vector<128x1x1xf32> to vector<128x16x128xf32>
    %broadcast_in_dim3A_331 = vector.broadcast %jit3A_328 : f32 to vector<128x16x128xf32>
    %select_n3A_332 = arith.select %eq3A_327, %broadcast_in_dim3A_330, %broadcast_in_dim3A_331 : vector<128x16x128xi1>, vector<128x16x128xf32>
    %add3A_333 = arith.addf %broadcast_in_dim3A_325, %select_n3A_332 : vector<128x16x128xf32>
    %eq3A_334 = vector.broadcast %broadcast_in_dim3A_194 : vector<128x1x1xi32> to vector<128x16x128xi32>
    %eq3A_335 = arith.cmpi eq, %add3A_161, %eq3A_334 : vector<128x16x128xi32>
    %div3A_336 = arith.divf %exp3A_307, %add3A_323 : vector<128x1x1xf32>
    %jit3A_337 = arith.constant 0.000000e+00 : f32
    %broadcast_in_dim3A_338 = vector.shape_cast %div3A_336 : vector<128x1x1xf32> to vector<128x1x1xf32>
    %broadcast_in_dim3A_339 = vector.broadcast %broadcast_in_dim3A_338 : vector<128x1x1xf32> to vector<128x16x128xf32>
    %broadcast_in_dim3A_340 = vector.broadcast %jit3A_337 : f32 to vector<128x16x128xf32>
    %select_n3A_341 = arith.select %eq3A_335, %broadcast_in_dim3A_339, %broadcast_in_dim3A_340 : vector<128x16x128xi1>, vector<128x16x128xf32>
    %add3A_342 = arith.addf %add3A_333, %select_n3A_341 : vector<128x16x128xf32>
    %eq3A_343 = vector.broadcast %broadcast_in_dim3A_216 : vector<128x1x1xi32> to vector<128x16x128xi32>
    %eq3A_344 = arith.cmpi eq, %add3A_161, %eq3A_343 : vector<128x16x128xi32>
    %div3A_345 = arith.divf %exp3A_309, %add3A_323 : vector<128x1x1xf32>
    %jit3A_346 = arith.constant 0.000000e+00 : f32
    %broadcast_in_dim3A_347 = vector.shape_cast %div3A_345 : vector<128x1x1xf32> to vector<128x1x1xf32>
    %broadcast_in_dim3A_348 = vector.broadcast %broadcast_in_dim3A_347 : vector<128x1x1xf32> to vector<128x16x128xf32>
    %broadcast_in_dim3A_349 = vector.broadcast %jit3A_346 : f32 to vector<128x16x128xf32>
    %select_n3A_350 = arith.select %eq3A_344, %broadcast_in_dim3A_348, %broadcast_in_dim3A_349 : vector<128x16x128xi1>, vector<128x16x128xf32>
    %add3A_351 = arith.addf %add3A_342, %select_n3A_350 : vector<128x16x128xf32>
    %eq3A_352 = vector.broadcast %broadcast_in_dim3A_238 : vector<128x1x1xi32> to vector<128x16x128xi32>
    %eq3A_353 = arith.cmpi eq, %add3A_161, %eq3A_352 : vector<128x16x128xi32>
    %div3A_354 = arith.divf %exp3A_311, %add3A_323 : vector<128x1x1xf32>
    %jit3A_355 = arith.constant 0.000000e+00 : f32
    %broadcast_in_dim3A_356 = vector.shape_cast %div3A_354 : vector<128x1x1xf32> to vector<128x1x1xf32>
    %broadcast_in_dim3A_357 = vector.broadcast %broadcast_in_dim3A_356 : vector<128x1x1xf32> to vector<128x16x128xf32>
    %broadcast_in_dim3A_358 = vector.broadcast %jit3A_355 : f32 to vector<128x16x128xf32>
    %select_n3A_359 = arith.select %eq3A_353, %broadcast_in_dim3A_357, %broadcast_in_dim3A_358 : vector<128x16x128xi1>, vector<128x16x128xf32>
    %add3A_360 = arith.addf %add3A_351, %select_n3A_359 : vector<128x16x128xf32>
    %eq3A_361 = vector.broadcast %broadcast_in_dim3A_260 : vector<128x1x1xi32> to vector<128x16x128xi32>
    %eq3A_362 = arith.cmpi eq, %add3A_161, %eq3A_361 : vector<128x16x128xi32>
    %div3A_363 = arith.divf %exp3A_313, %add3A_323 : vector<128x1x1xf32>
    %jit3A_364 = arith.constant 0.000000e+00 : f32
    %broadcast_in_dim3A_365 = vector.shape_cast %div3A_363 : vector<128x1x1xf32> to vector<128x1x1xf32>
    %broadcast_in_dim3A_366 = vector.broadcast %broadcast_in_dim3A_365 : vector<128x1x1xf32> to vector<128x16x128xf32>
    %broadcast_in_dim3A_367 = vector.broadcast %jit3A_364 : f32 to vector<128x16x128xf32>
    %select_n3A_368 = arith.select %eq3A_362, %broadcast_in_dim3A_366, %broadcast_in_dim3A_367 : vector<128x16x128xi1>, vector<128x16x128xf32>
    %add3A_369 = arith.addf %add3A_360, %select_n3A_368 : vector<128x16x128xf32>
    %eq3A_370 = vector.broadcast %broadcast_in_dim3A_282 : vector<128x1x1xi32> to vector<128x16x128xi32>
    %eq3A_371 = arith.cmpi eq, %add3A_161, %eq3A_370 : vector<128x16x128xi32>
    %div3A_372 = arith.divf %exp3A_315, %add3A_323 : vector<128x1x1xf32>
    %jit3A_373 = arith.constant 0.000000e+00 : f32
    %broadcast_in_dim3A_374 = vector.shape_cast %div3A_372 : vector<128x1x1xf32> to vector<128x1x1xf32>
    %broadcast_in_dim3A_375 = vector.broadcast %broadcast_in_dim3A_374 : vector<128x1x1xf32> to vector<128x16x128xf32>
    %broadcast_in_dim3A_376 = vector.broadcast %jit3A_373 : f32 to vector<128x16x128xf32>
    %select_n3A_377 = arith.select %eq3A_371, %broadcast_in_dim3A_375, %broadcast_in_dim3A_376 : vector<128x16x128xi1>, vector<128x16x128xf32>
    %add3A_378 = arith.addf %add3A_369, %select_n3A_377 : vector<128x16x128xf32>
    %eq3A_379 = vector.broadcast %broadcast_in_dim3A_304 : vector<128x1x1xi32> to vector<128x16x128xi32>
    %eq3A_380 = arith.cmpi eq, %add3A_161, %eq3A_379 : vector<128x16x128xi32>
    %div3A_381 = arith.divf %exp3A_317, %add3A_323 : vector<128x1x1xf32>
    %jit3A_382 = arith.constant 0.000000e+00 : f32
    %broadcast_in_dim3A_383 = vector.shape_cast %div3A_381 : vector<128x1x1xf32> to vector<128x1x1xf32>
    %broadcast_in_dim3A_384 = vector.broadcast %broadcast_in_dim3A_383 : vector<128x1x1xf32> to vector<128x16x128xf32>
    %broadcast_in_dim3A_385 = vector.broadcast %jit3A_382 : f32 to vector<128x16x128xf32>
    %select_n3A_386 = arith.select %eq3A_380, %broadcast_in_dim3A_384, %broadcast_in_dim3A_385 : vector<128x16x128xi1>, vector<128x16x128xf32>
    %add3A_387 = arith.addf %add3A_378, %select_n3A_386 : vector<128x16x128xf32>
    %convert_element_type3A_388 = arith.truncf %add3A_387 : vector<128x16x128xf32> to vector<128x16x128xbf16>
    %transpose3A_389 = tpu.transpose %convert_element_type3A_388, [0, 2, 1] : vector<128x16x128xbf16> -> vector<128x128x16xbf16>
    %reshape3A_390 = vector.shape_cast %transpose3A_389 : vector<128x128x16xbf16> to vector<16384x16xbf16>
    %dot_general3A_391 = arith.constant dense<0.000000e+00> : vector<16384x32xf32>
    %dot_general3A_392 = tpu.matmul %reshape3A_390, %get3A_1, %dot_general3A_391 {dimension_numbers = #tpu.dot_dimension_numbers<[1], [0], [0], [1], [0, 0, 1, 1], [], []>, transpose_lhs_hint = false} : vector<16384x16xbf16>, vector<16x32xbf16>, vector<16384x32xf32> -> vector<16384x32xf32>
    %reshape3A_393 = vector.shape_cast %dot_general3A_392 : vector<16384x32xf32> to vector<128x128x32xf32>
    %transpose3A_394 = tpu.transpose %reshape3A_393, [0, 2, 1] : vector<128x128x32xf32> -> vector<128x32x128xf32>
    %slice3A_395 = vector.extract_strided_slice %transpose3A_394 {offsets = [0, 0, 0], sizes = [128, 16, 128], strides = [1, 1, 1]} : vector<128x32x128xf32> to vector<128x16x128xf32>
    %slice3A_396 = vector.extract_strided_slice %transpose3A_394 {offsets = [0, 16, 0], sizes = [128, 16, 128], strides = [1, 1, 1]} : vector<128x32x128xf32> to vector<128x16x128xf32>
    %mul3A_397 = vector.broadcast %get3A_26 : vector<1x16x128xf32> to vector<128x16x128xf32>
    %mul3A_398 = arith.mulf %slice3A_395, %mul3A_397 : vector<128x16x128xf32>
    %mul3A_399 = vector.broadcast %get3A_30 : vector<1x16x128xf32> to vector<128x16x128xf32>
    %mul3A_400 = arith.mulf %slice3A_396, %mul3A_399 : vector<128x16x128xf32>
    %add3A_401 = arith.addf %mul3A_398, %mul3A_400 : vector<128x16x128xf32>
    %mul3A_402 = vector.broadcast %get3A_26 : vector<1x16x128xf32> to vector<128x16x128xf32>
    %mul3A_403 = arith.mulf %slice3A_396, %mul3A_402 : vector<128x16x128xf32>
    %mul3A_404 = vector.broadcast %get3A_30 : vector<1x16x128xf32> to vector<128x16x128xf32>
    %mul3A_405 = arith.mulf %slice3A_395, %mul3A_404 : vector<128x16x128xf32>
    %sub3A_406 = arith.subf %mul3A_403, %mul3A_405 : vector<128x16x128xf32>
    %convert_element_type3A_407 = arith.truncf %add3A_401 : vector<128x16x128xf32> to vector<128x16x128xbf16>
    %convert_element_type3A_408 = arith.truncf %sub3A_406 : vector<128x16x128xf32> to vector<128x16x128xbf16>
    %concatenate3A_409 = tpu.concatenate %convert_element_type3A_407, %convert_element_type3A_408 in 2 : vector<128x16x128xbf16>, vector<128x16x128xbf16> -> vector<128x16x256xbf16>
    %reshape3A_410 = vector.shape_cast %concatenate3A_409 : vector<128x16x256xbf16> to vector<2048x256xbf16>
    %dot_general3A_411 = arith.constant dense<0.000000e+00> : vector<2048x256xf32>
    %dot_general3A_412 = tpu.matmul %reshape3A_410, %get3A_7, %dot_general3A_411 {dimension_numbers = #tpu.dot_dimension_numbers<[1], [0], [0], [1], [0, 0, 1, 1], [], []>, transpose_lhs_hint = false} : vector<2048x256xbf16>, vector<256x256xbf16>, vector<2048x256xf32> -> vector<2048x256xf32>
    %reshape3A_413 = vector.shape_cast %dot_general3A_412 : vector<2048x256xf32> to vector<128x16x256xf32>
    %slice3A_414 = vector.extract_strided_slice %reshape3A_413 {offsets = [0, 0, 0], sizes = [128, 16, 128], strides = [1, 1, 1]} : vector<128x16x256xf32> to vector<128x16x128xf32>
    %slice3A_415 = vector.extract_strided_slice %reshape3A_413 {offsets = [0, 0, 128], sizes = [128, 16, 128], strides = [1, 1, 1]} : vector<128x16x256xf32> to vector<128x16x128xf32>
    %get3A_416 = arith.constant 0 : index
    %get3A_417 = arith.constant 0 : index
    %get3A_418 = arith.constant 0 : index
    %get3A_419 = vector.load %arg3[%get3A_416, %get3A_417, %get3A_418] : memref<128x16x128xf32, #tpu.memory_space<vmem>>, vector<128x16x128xf32>
    %convert_element_type3A_420 = arith.truncf %get3A_419 : vector<128x16x128xf32> to vector<128x16x128xbf16>
    %transpose3A_421 = tpu.transpose %convert_element_type3A_420, [0, 2, 1] : vector<128x16x128xbf16> -> vector<128x128x16xbf16>
    %reshape3A_422 = vector.shape_cast %transpose3A_421 : vector<128x128x16xbf16> to vector<16384x16xbf16>
    %dot_general3A_423 = arith.constant dense<0.000000e+00> : vector<16384x32xf32>
    %dot_general3A_424 = tpu.matmul %reshape3A_422, %get3A_1, %dot_general3A_423 {dimension_numbers = #tpu.dot_dimension_numbers<[1], [0], [0], [1], [0, 0, 1, 1], [], []>, transpose_lhs_hint = false} : vector<16384x16xbf16>, vector<16x32xbf16>, vector<16384x32xf32> -> vector<16384x32xf32>
    %reshape3A_425 = vector.shape_cast %dot_general3A_424 : vector<16384x32xf32> to vector<128x128x32xf32>
    %transpose3A_426 = tpu.transpose %reshape3A_425, [0, 2, 1] : vector<128x128x32xf32> -> vector<128x32x128xf32>
    %slice3A_427 = vector.extract_strided_slice %transpose3A_426 {offsets = [0, 0, 0], sizes = [128, 16, 128], strides = [1, 1, 1]} : vector<128x32x128xf32> to vector<128x16x128xf32>
    %slice3A_428 = vector.extract_strided_slice %transpose3A_426 {offsets = [0, 16, 0], sizes = [128, 16, 128], strides = [1, 1, 1]} : vector<128x32x128xf32> to vector<128x16x128xf32>
    %mul3A_429 = vector.broadcast %get3A_26 : vector<1x16x128xf32> to vector<128x16x128xf32>
    %mul3A_430 = arith.mulf %slice3A_427, %mul3A_429 : vector<128x16x128xf32>
    %mul3A_431 = vector.broadcast %get3A_30 : vector<1x16x128xf32> to vector<128x16x128xf32>
    %mul3A_432 = arith.mulf %slice3A_428, %mul3A_431 : vector<128x16x128xf32>
    %add3A_433 = arith.addf %mul3A_430, %mul3A_432 : vector<128x16x128xf32>
    %mul3A_434 = vector.broadcast %get3A_26 : vector<1x16x128xf32> to vector<128x16x128xf32>
    %mul3A_435 = arith.mulf %slice3A_428, %mul3A_434 : vector<128x16x128xf32>
    %mul3A_436 = vector.broadcast %get3A_30 : vector<1x16x128xf32> to vector<128x16x128xf32>
    %mul3A_437 = arith.mulf %slice3A_427, %mul3A_436 : vector<128x16x128xf32>
    %sub3A_438 = arith.subf %mul3A_435, %mul3A_437 : vector<128x16x128xf32>
    %convert_element_type3A_439 = arith.truncf %add3A_433 : vector<128x16x128xf32> to vector<128x16x128xbf16>
    %convert_element_type3A_440 = arith.truncf %sub3A_438 : vector<128x16x128xf32> to vector<128x16x128xbf16>
    %concatenate3A_441 = tpu.concatenate %convert_element_type3A_439, %convert_element_type3A_440 in 2 : vector<128x16x128xbf16>, vector<128x16x128xbf16> -> vector<128x16x256xbf16>
    %reshape3A_442 = vector.shape_cast %concatenate3A_441 : vector<128x16x256xbf16> to vector<2048x256xbf16>
    %dot_general3A_443 = arith.constant dense<0.000000e+00> : vector<2048x256xf32>
    %dot_general3A_444 = tpu.matmul %reshape3A_442, %get3A_7, %dot_general3A_443 {dimension_numbers = #tpu.dot_dimension_numbers<[1], [0], [0], [1], [0, 0, 1, 1], [], []>, transpose_lhs_hint = false} : vector<2048x256xbf16>, vector<256x256xbf16>, vector<2048x256xf32> -> vector<2048x256xf32>
    %reshape3A_445 = vector.shape_cast %dot_general3A_444 : vector<2048x256xf32> to vector<128x16x256xf32>
    %slice3A_446 = vector.extract_strided_slice %reshape3A_445 {offsets = [0, 0, 0], sizes = [128, 16, 128], strides = [1, 1, 1]} : vector<128x16x256xf32> to vector<128x16x128xf32>
    %slice3A_447 = vector.extract_strided_slice %reshape3A_445 {offsets = [0, 0, 128], sizes = [128, 16, 128], strides = [1, 1, 1]} : vector<128x16x256xf32> to vector<128x16x128xf32>
    %mul3A_448 = arith.mulf %slice3A_446, %slice3A_414 : vector<128x16x128xf32>
    %mul3A_449 = arith.mulf %slice3A_447, %slice3A_415 : vector<128x16x128xf32>
    %add3A_450 = arith.addf %mul3A_448, %mul3A_449 : vector<128x16x128xf32>
    %mul3A_451 = arith.mulf %slice3A_447, %slice3A_414 : vector<128x16x128xf32>
    %mul3A_452 = arith.mulf %slice3A_446, %slice3A_415 : vector<128x16x128xf32>
    %sub3A_453 = arith.subf %mul3A_451, %mul3A_452 : vector<128x16x128xf32>
    %convert_element_type3A_454 = arith.truncf %add3A_450 : vector<128x16x128xf32> to vector<128x16x128xbf16>
    %convert_element_type3A_455 = arith.truncf %sub3A_453 : vector<128x16x128xf32> to vector<128x16x128xbf16>
    %concatenate3A_456 = tpu.concatenate %convert_element_type3A_454, %convert_element_type3A_455 in 2 : vector<128x16x128xbf16>, vector<128x16x128xbf16> -> vector<128x16x256xbf16>
    %reshape3A_457 = vector.shape_cast %concatenate3A_456 : vector<128x16x256xbf16> to vector<2048x256xbf16>
    %dot_general3A_458 = arith.constant dense<0.000000e+00> : vector<2048x256xf32>
    %dot_general3A_459 = tpu.matmul %reshape3A_457, %get3A_13, %dot_general3A_458 {dimension_numbers = #tpu.dot_dimension_numbers<[1], [0], [0], [1], [0, 0, 1, 1], [], []>, transpose_lhs_hint = false} : vector<2048x256xbf16>, vector<256x256xbf16>, vector<2048x256xf32> -> vector<2048x256xf32>
    %reshape3A_460 = vector.shape_cast %dot_general3A_459 : vector<2048x256xf32> to vector<128x16x256xf32>
    %slice3A_461 = vector.extract_strided_slice %reshape3A_460 {offsets = [0, 0, 0], sizes = [128, 16, 128], strides = [1, 1, 1]} : vector<128x16x256xf32> to vector<128x16x128xf32>
    %slice3A_462 = vector.extract_strided_slice %reshape3A_460 {offsets = [0, 0, 128], sizes = [128, 16, 128], strides = [1, 1, 1]} : vector<128x16x256xf32> to vector<128x16x128xf32>
    %mul3A_463 = vector.broadcast %get3A_26 : vector<1x16x128xf32> to vector<128x16x128xf32>
    %mul3A_464 = arith.mulf %slice3A_461, %mul3A_463 : vector<128x16x128xf32>
    %mul3A_465 = vector.broadcast %get3A_30 : vector<1x16x128xf32> to vector<128x16x128xf32>
    %mul3A_466 = arith.mulf %slice3A_462, %mul3A_465 : vector<128x16x128xf32>
    %sub3A_467 = arith.subf %mul3A_464, %mul3A_466 : vector<128x16x128xf32>
    %mul3A_468 = vector.broadcast %get3A_30 : vector<1x16x128xf32> to vector<128x16x128xf32>
    %mul3A_469 = arith.mulf %slice3A_461, %mul3A_468 : vector<128x16x128xf32>
    %mul3A_470 = vector.broadcast %get3A_26 : vector<1x16x128xf32> to vector<128x16x128xf32>
    %mul3A_471 = arith.mulf %slice3A_462, %mul3A_470 : vector<128x16x128xf32>
    %add3A_472 = arith.addf %mul3A_469, %mul3A_471 : vector<128x16x128xf32>
    %convert_element_type3A_473 = arith.truncf %sub3A_467 : vector<128x16x128xf32> to vector<128x16x128xbf16>
    %convert_element_type3A_474 = arith.truncf %add3A_472 : vector<128x16x128xf32> to vector<128x16x128xbf16>
    %concatenate3A_475 = tpu.concatenate %convert_element_type3A_473, %convert_element_type3A_474 in 1 : vector<128x16x128xbf16>, vector<128x16x128xbf16> -> vector<128x32x128xbf16>
    %transpose3A_476 = tpu.transpose %concatenate3A_475, [0, 2, 1] : vector<128x32x128xbf16> -> vector<128x128x32xbf16>
    %reshape3A_477 = vector.shape_cast %transpose3A_476 : vector<128x128x32xbf16> to vector<16384x32xbf16>
    %dot_general3A_478 = arith.constant dense<0.000000e+00> : vector<16384x16xf32>
    %dot_general3A_479 = tpu.matmul %reshape3A_477, %get3A_19, %dot_general3A_478 {dimension_numbers = #tpu.dot_dimension_numbers<[1], [0], [0], [1], [0, 0, 1, 1], [], []>, transpose_lhs_hint = false} : vector<16384x32xbf16>, vector<32x16xbf16>, vector<16384x16xf32> -> vector<16384x16xf32>
    %reshape3A_480 = vector.shape_cast %dot_general3A_479 : vector<16384x16xf32> to vector<128x128x16xf32>
    %transpose3A_481 = tpu.transpose %reshape3A_480, [0, 2, 1] : vector<128x128x16xf32> -> vector<128x16x128xf32>
    %swap3A = arith.constant 0 : index
    %swap3A_482 = arith.constant 0 : index
    %swap3A_483 = arith.constant 0 : index
    %swap3A_484 = vector.load %arg14[%swap3A, %swap3A_482, %swap3A_483] : memref<128x16x128xf32, #tpu.memory_space<vmem>>, vector<128x16x128xf32>
    tpu.vector_store %arg14[%swap3A, %swap3A_482, %swap3A_483], %transpose3A_481 {strides = array<i32>} : memref<128x16x128xf32, #tpu.memory_space<vmem>>, vector<128x16x128xf32>,
    return
  }
  func.func @transform_0(%arg0: i32) -> (i32, i32, i32) {
    %c0_i32 = arith.constant 0 : i32
    %c0_i32_0 = arith.constant 0 : i32
    %c0_i32_1 = arith.constant 0 : i32
    return %arg0, %c0_i32, %c0_i32_0 : i32, i32, i32
  }
  func.func @transform_1(%arg0: i32) -> (i32, i32, i32) {
    %c0_i32 = arith.constant 0 : i32
    %c0_i32_0 = arith.constant 0 : i32
    %c0_i32_1 = arith.constant 0 : i32
    return %arg0, %c0_i32, %c0_i32_0 : i32, i32, i32
  }
  func.func @transform_2(%arg0: i32) -> (i32, i32, i32) {
    %c0_i32 = arith.constant 0 : i32
    %c0_i32_0 = arith.constant 0 : i32
    %c0_i32_1 = arith.constant 0 : i32
    return %arg0, %c0_i32, %c0_i32_0 : i32, i32, i32
  }
  func.func @transform_3(%arg0: i32) -> (i32, i32) {
    %c0_i32 = arith.constant 0 : i32
    %c0_i32_0 = arith.constant 0 : i32
    %c0_i32_1 = arith.constant 0 : i32
    return %c0_i32, %c0_i32_0 : i32, i32
  }
  func.func @transform_4(%arg0: i32) -> (i32, i32) {
    %c0_i32 = arith.constant 0 : i32
    %c0_i32_0 = arith.constant 0 : i32
    %c0_i32_1 = arith.constant 0 : i32
    return %c0_i32, %c0_i32_0 : i32, i32
  }
  func.func @transform_5(%arg0: i32) -> (i32, i32) {
    %c0_i32 = arith.constant 0 : i32
    %c0_i32_0 = arith.constant 0 : i32
    %c0_i32_1 = arith.constant 0 : i32
    return %c0_i32, %c0_i32_0 : i32, i32
  }
  func.func @transform_6(%arg0: i32) -> (i32, i32) {
    %c0_i32 = arith.constant 0 : i32
    %c0_i32_0 = arith.constant 0 : i32
    %c0_i32_1 = arith.constant 0 : i32
    return %c0_i32, %c0_i32_0 : i32, i32
  }
  func.func @transform_7(%arg0: i32) -> (i32, i32) {
    %c0_i32 = arith.constant 0 : i32
    %c0_i32_0 = arith.constant 0 : i32
    %c0_i32_1 = arith.constant 0 : i32
    return %c0_i32, %c0_i32_0 : i32, i32
  }
  func.func @transform_8(%arg0: i32) -> (i32, i32) {
    %c0_i32 = arith.constant 0 : i32
    %c0_i32_0 = arith.constant 0 : i32
    %c0_i32_1 = arith.constant 0 : i32
    return %c0_i32, %c0_i32_0 : i32, i32
  }
  func.func @transform_9(%arg0: i32) -> (i32, i32) {
    %c0_i32 = arith.constant 0 : i32
    %c0_i32_0 = arith.constant 0 : i32
    %c0_i32_1 = arith.constant 0 : i32
    return %c0_i32, %c0_i32_0 : i32, i32
  }
  func.func @transform_10(%arg0: i32) -> (i32, i32) {
    %c0_i32 = arith.constant 0 : i32
    %c0_i32_0 = arith.constant 0 : i32
    %c0_i32_1 = arith.constant 0 : i32
    return %c0_i32, %c0_i32_0 : i32, i32
  }
  func.func @transform_11(%arg0: i32) -> (i32, i32, i32) {
    %c0_i32 = arith.constant 0 : i32
    %c0_i32_0 = arith.constant 0 : i32
    %c0_i32_1 = arith.constant 0 : i32
    %c0_i32_2 = arith.constant 0 : i32
    return %c0_i32, %c0_i32_0, %c0_i32_1 : i32, i32, i32
  }
  func.func @transform_12(%arg0: i32) -> (i32, i32, i32) {
    %c0_i32 = arith.constant 0 : i32
    %c0_i32_0 = arith.constant 0 : i32
    %c0_i32_1 = arith.constant 0 : i32
    %c0_i32_2 = arith.constant 0 : i32
    return %c0_i32, %c0_i32_0, %c0_i32_1 : i32, i32, i32
  }
  func.func @transform_13(%arg0: i32) -> (i32, i32, i32) {
    %c0_i32 = arith.constant 0 : i32
    %c0_i32_0 = arith.constant 0 : i32
    %c0_i32_1 = arith.constant 0 : i32
    return %arg0, %c0_i32, %c0_i32_0 : i32, i32, i32
  }
}

</mosaic_0001>

<sc_bundles>
// kernel: sparse-core-data-format-call.1.cloned.1.call-start
scs
called_computation.1_lowered:
.L_overlay_start_0:
0x0: {  	s2 =	sld [smem:$0x3FD9]  }
0x1: {  	s3 =	sld [smem:$0x3FFE];
	_ =	sdelay $0x1  }
0x2: {  	s1 =	srdreg.scid  }
0x3: {  	s0 =	sand.u32 $0x1, s1  }
0x4: {  	s18 =	sshll.u32 s0, $0xA;
	s2 =	sadd.s32 s3, s2  }
0x5: {  	s2 =	sadd.s32 s2, s18  }
0x6: {  	[smem:$0x3FC5] =	sst s2  }
0x7: {  	_ = 	snop  }
0x8: {  	s19 =	sld [smem:$0x3FC8];
	(tm) =	ssettm $0x1  }
0x9: {  	s20 =	sld [smem:$0x3FFB];
	_ =	sdelay $0x3  }
0xa: {  	_ =	strace s20  }
0xb: {  	s2 =	sld [smem:$0x3FFC];
	_ =	sdelay $0x3  }
0xc: {  	_ =	strace s2  }
0xd: {  	s2 =	sld [smem:$0x3FFD];
	_ =	sdelay $0x3  }
0xe: {  	_ =	strace s2  }
0xf: {  	_ =	strace $0x8FFFFFFF  }
0x10: {  	s21 =	sld [smem:$0x3FDB];
	_ =	sdelay $0x1  }
0x11: {  	s4 =	simm.s32 $_scs_section_size  }
0x12: {  	s5 =	simm.s32 $_size__tile_overlayer_lowered;
	s6 =	simm.s32 $_tile_overlayer_lowered  }
0x13: {  	s7 =	simm.s32 $0x1BFF;
	s22 =	sshll.u32 s6, $0x1;
	s4 =	sadd.s32 s4, s21  }
0x14: {  	s23 =	simm.s32 $0x0;
	s5 =	sshll.u32 s5, $0x1;
	s6 =	sadd.s32 s22, s4  }
0x15: {  	[timem:s23], [sflag:s7] =	dma.local [hbm:s6], s5  }
0x16: {  	_ =	swait.ge [sflag:s7], s5  }
0x17: {  	s5 =	ssub.s32 $0x0, s5;
	[sflag:s7] =	ssyncset.done $0x0  }
0x18: {  	[sflag:s7] =	ssyncadd.s32 s5;
	_ =	sdelay $0x1  }
0x19: {  	s24 =	simm.s32 $0x1B8B  }
0x1a: {  	_ =	swait.ge [sflag:s24], $0x1  }
0x1b: {  	[sflag:s24] =	ssyncset.done $0x0  }
0x1c: {  	[sflag:s24] =	ssyncadd.s32 $0xFFFFFFFF  }
0x1d: {  	s5 =	sld [smem:$0x0]  }
0x1e: {  	s6 =	sand.u32 $0xFFFFFFFE, s1  }
0x1f: {  	p0 =	sne.s32 s1, s6  }
0x20: {  	s6 =	sshll.u32 @p0 s6, $0xE  }
0x21: {  	s6 =	sadd.s32 @p0 $0x11B8D, s6;
	s7 =	sshll.u32 @p0 s5, $0x11  }
0x22: {  	s6 =	sor.u32 @p0 s7, s6  }
0x23: {  	[sflag:s6] =	ssyncadd.remote.s32 @p0 $0x1;
	_ =	sdelay $0x1  }
0x24: {  	s6 =	simm.s32 @p0 $0x1B8D  }
0x25: {  	_ =	swait.eq @p0 [sflag:s6], $0x1  }
0x26: {  	[sflag:s6] =	ssyncadd.s32 @p0 $0xFFFFFFFF  }
0x27: {  	s7 =	sshll.u32 @!p0 s1, $0xE  }
0x28: {  	s7 =	sor.u32 @!p0 $0x4000, s7;
	s6 =	simm.s32 @!p0 $0x1B8D  }
0x29: {  	s5 =	sshll.u32 @!p0 s5, $0x11;
	s7 =	sadd.s32 @!p0 $0x11B8D, s7;
	_ =	swait.eq @!p0 [sflag:s6], $0x1  }
0x2a: {  	s5 =	sor.u32 @!p0 s5, s7;
	[sflag:s6] =	ssyncadd.s32 @!p0 $0xFFFFFFFF  }
0x2b: {  	s26 =	simm.s32 $0x1B8E;
	s25 =	sld [smem:$0x3FFE];
	[sflag:s5] =	ssyncadd.remote.s32 @!p0 $0x1  }
0x2c: {  	s27 =	simm.s32 $execute0_lowered;
	[smem:$0x3FD2] =	sst s26  }
0x2d: {  	s6 =	sshll.u32 s27, $0x1;
	_ =	strace $0x80000049;
	[dreg:$0x1] =	wrdreg $0xFFFFFFFF  }
0x2e: {  	s28 =	simm.s32 $_size_execute0_lowered;
	s4 =	sadd.s32 s4, s6;
	[dreg:$0x0] =	wrdreg $0x0  }
0x2f: {  	s6 =	sshll.u32 s28, $0x1;
	[dreg:$0x2] =	wrdreg s4  }
0x30: {  	[dreg:$0x3] =	wrdreg s6  }
0x31: {  	[dreg:$0x4] =	wrdreg $0xC0  }
0x32: {  	_ =	task [dreg:s23], $0x5FFFF  }
0x33: {  	[dreg:$0x1] =	wrdreg $0xFFFFFFFF  }
0x34: {  	[dreg:$0x0] =	wrdreg $0x60  }
0x35: {  	[dreg:$0x2] =	wrdreg s19  }
0x36: {  	[dreg:$0x3] =	wrdreg s25  }
0x37: {  	[dreg:$0x4] =	wrdreg $0xA  }
0x38: {  	_ =	task.clear_ibuf [dreg:s23], $0x5FFFF;
	_ =	strace $0x90000049  }
0x39: {  	s29 =	simm.s32 $0xA;
	_ =	strace $0x8000004B  }
0x3a: {  	_ =	swait.ge [sflag:s29], $0x1  }
0x3b: {  	[sflag:s29] =	ssyncadd.s32 $0xFFFFFFFF  }
0x3c: {  	_ =	strace $0x9000004B  }
0x3d: {  	_ =	sfence  }
0x3e: {  	s30 =	sld [smem:$0x0];
	_ =	sdelay $0x2  }
0x3f: {  	s31 =	sshll.u32 s1, $0xD;
	s1 =	sshrl.u32 s1, $0x2  }
0x40: {  	s4 =	sand.u32 $0x4000, s31;
	s1 =	sadd.s32 s1, s30  }
0x41: {  	s0 =	sor.u32 s4, s0;
	s1 =	sshll.u32 s1, $0x11  }
0x42: {  	s0 =	sor.u32 s1, s0  }
0x43: {  	s0 =	sadd.s32 $0x8F2B, s0  }
0x44: {  	[sflag:s0] =	ssyncadd.remote.s32 $0x1  }
0x45: {  	_ =	sfence.sel $0xFFFF  }
0x46: {  	[dreg:$0x0] =	wrdreg $0xFFFFFFFF;
	(pc) =	sbr.abs _section_cstart, $3  }
0x47: {  	[dreg:$0x1] =	wrdreg $0xFFFFFFFF  }
0x48: {  	_ =	task.clear_ibuf [dreg:s23], $0x2FFFF;
	_ =	strace $0x9FFFFFFF  }
0x49: {  	(tm) =	ssettm $0x7FFFFFFF  }
tec
execute0_lowered:
.L_overlay_start_1:
0x0: {  	(tag) =	ssettag $0x1  }
0x1: {  	s2 =	rddreg [dreg:$0x0]  }
0x2: {  	s1 =	rddreg [dreg:$0x1]  }
0x3: {  	s0 =	rddreg [dreg:$0x2];
	_ =	strace $0x8000004A;
	s4 =	srdreg.scid  }
.Ltmp0:
0x4: {  	s6 =	simm.s32 $0x2;
	p0 =	por $0x0, $0x0;
	(pc) =	sbr.rel .LBB1_1-.Ltmp0, $4  }
0x5: {  	s9 =	simm.s32 $0x0;
	s3 =	sadd.s32 $0x102000, s1;
	s5 =	sshll.u32 s4, $0x4  }
0x6: {  	s1 =	stileid.u32;
	s4 =	simm.s32 $0x1;
	s5 =	sand.u32 $0x10, s5  }
0x7: {  	s7 =	simm.s32 $0x0;
	[sflag:s4] =	ssyncpa.u1 $0x0;
	s5 =	sor.u32 s1, s5  }
0x8: {  	[sflag:s6] =	ssyncpa.u1 $0x0;
	s6 =	simm.s32 $0x0;
	s8 =	smov.u32 s5  }
.LBB1_7:
0x9: {  	s11 =	sadd.s32 $0x20, s8  }
0xa: {  	p1 =	slt.u32 s7, $0x2;
	s7 =	sadd.s32 $0x1, s7;
	p2 =	sgt.s32 s11, $0x1FF  }
0xb: {  	s11 =	smov.u32 @p2 s5;
	p2 =	sne.s32 s7, $0x12  }
.Ltmp1:
0xc: {  	_ = 	snop;
	(pc) =	sbr.rel @!p2 .LBB1_8-.Ltmp1, $4  }
0xd: {  	s10 =	simm.s32 @!p1 $0x2  }
0xe: {  	_ =	swait.ge @!p1 [sflag:s10], $0x4000  }
0xf: {  	s9 =	smov.u32 s8;
	[sflag:s10] =	ssyncset.done @!p1 $0x0  }
0x10: {  	p0 =	por !p0, !p0;
	s8 =	smov.u32 s11;
	[sflag:s10] =	ssyncadd.s32 @!p1 $0xFFFFC000  }
.LBB1_1:
0x11: {  	p1 =	sgt.u32 s7, $0xF  }
0x12: {  	s10 =	sxor.u32 @!p1 $0xFFFFFFFF, s7  }
0x13: {  	s11 =	sshll.u32 @!p1 s8, $0xB;
	s10 =	sshll.u32 @!p1 s10, $0xE  }
0x14: {  	s12 =	simm.s32 @!p1 $0x0;
	s11 =	sadd.s32 @!p1 s2, s11;
	s10 =	sand.u32 @!p1 $0x4000, s10  }
0x15: {  	[tilespmem:s10], [sflag:$0x1] =	stream.linear.gather @!p1 [hbm4b:s11+s12], $0x4000, $0x38;
	[tilespmem:$0x10000] =	vst v63  }
0x16: {  	p1 =	seq.s32 s7, $0x0  }
0x17: {  	p2 =	seq.s32 @!p1 s7, $0x11  }
0x18: {  	p1 =	por p1, p2  }
.Ltmp2:
0x19: {  	_ = 	snop;
	(pc) =	sbr.rel @p1 .LBB1_7-.Ltmp2, $1  }
0x1a: {  	_ =	sdelay $0x3  }
0x1b: {  	s10 =	simm.s32 $0x1;
	_ =	swait.ge [sflag:s4], $0x4000;
	s12 =	sshll.u32 s7, $0xE  }
0x1c: {  	s13 =	simm.s32 $0x0;
	s10 =	simm.s32 @!p0 $0x0;
	[sflag:s4] =	ssyncset.done $0x0  }
0x1d: {  	s12 =	sand.u32 $0x4000, s12;
	s11 =	sshll.u32 s10, $0xE;
	[sflag:s4] =	ssyncadd.s32 $0xFFFFC000  }
0x1e: {  	s12 =	sor.u32 $0x8000, s12;
	s10 =	sor.u32 $0x8040, s11;
	s11 =	sor.u32 $0x40, s11  }
.LBB1_3:
0x1f: {  	v0 =	vmov s11;
	_ =	sdelay $0x3  }
0x20: {  	s15 =	simm.s32 $0x0  }
0x21: {  	v6 =	vld.idx.msk [tilespmem:v0+s15+$0x30 ss:$0x1], $0xffff  }
0x22: {  	v7 =	vld.idx.msk [tilespmem:v0+s15+$0xFFFFFFC0 ss:$0x1], $0xffff  }
0x23: {  	v5 =	vld.idx.msk [tilespmem:v0+s15+$0xFFFFFFD0 ss:$0x1], $0xffff  }
0x24: {  	v4 =	vld.idx.msk [tilespmem:v0+s15+$0xFFFFFFE0 ss:$0x1], $0xffff  }
0x25: {  	v3 =	vld.idx.msk [tilespmem:v0+s15+$0xFFFFFFF0 ss:$0x1], $0xffff  }
0x26: {  	v1 =	vld.idx.msk [tilespmem:v0+s15+$0x0 ss:$0x1], $0xffff  }
0x27: {  	v2 =	vld.idx.msk [tilespmem:v0+s15+$0x10 ss:$0x1], $0xffff;
	[tilespmem:s10+$0x30] =	vst v6  }
0x28: {  	s14 =	simm.s32 $0x80;
	s16 =	simm.s32 $0x400;
	[tilespmem:s10+$0xFFFFFFC0] =	vst v7;
	v6 =	vld.idx.msk [tilespmem:v0+s15+$0x20 ss:$0x1], $0xffff;
	s15 =	smov.u32 s10  }
.LBB1_4:
0x29: {  	p1 =	sne.s32 s16, $0xE00;
	v7 =	vld.idx.msk [tilespmem:v0+s14+$0x30 ss:$0x1], $0xffff;
	[tilespmem:s15+$0xFFFFFFD0] =	vst v5  }
0x2a: {  	v8 =	vld.idx.msk [tilespmem:v0+s14+$0xFFFFFFC0 ss:$0x1], $0xffff;
	[tilespmem:s15+$0xFFFFFFE0] =	vst v4  }
0x2b: {  	v5 =	vld.idx.msk [tilespmem:v0+s14+$0xFFFFFFD0 ss:$0x1], $0xffff;
	[tilespmem:s15+$0xFFFFFFF0] =	vst v3  }
.Ltmp3:
0x2c: {  	v4 =	vld.idx.msk [tilespmem:v0+s14+$0xFFFFFFE0 ss:$0x1], $0xffff;
	[tilespmem:s15+$0x0] =	vst v1;
	(pc) =	sbr.rel @p1 .LBB1_4-.Ltmp3, $4  }
0x2d: {  	v3 =	vld.idx.msk [tilespmem:v0+s14+$0xFFFFFFF0 ss:$0x1], $0xffff;
	[tilespmem:s15+$0x10] =	vst v2  }
0x2e: {  	v1 =	vld.idx.msk [tilespmem:v0+s14+$0x0 ss:$0x1], $0xffff;
	[tilespmem:s15+$0x20] =	vst v6;
	s15 =	sadd.s32 $0x800, s15  }
0x2f: {  	v2 =	vld.idx.msk [tilespmem:v0+s14+$0x10 ss:$0x1], $0xffff;
	[tilespmem:s15+$0x30] =	vst v7  }
0x30: {  	[tilespmem:s15+$0xFFFFFFC0] =	vst v8;
	v6 =	vld.idx.msk [tilespmem:v0+s14+$0x20 ss:$0x1], $0xffff;
	s14 =	sshra.s32 s16, $0x2;
	s16 =	sadd.s32 $0x200, s16  }
0x31: {  	_ =	sdelay $0x2  }
0x32: {  	[tilespmem:s15+$0xFFFFFFD0] =	vst v5  }
0x33: {  	v56 =	vld.idx.msk [tilespmem:v0+s14+$0x30 ss:$0x1], $0xffff;
	[tilespmem:s15+$0xFFFFFFE0] =	vst v4  }
0x34: {  	v57 =	vld.idx.msk [tilespmem:v0+s14+$0xFFFFFFC0 ss:$0x1], $0xffff;
	[tilespmem:s15+$0xFFFFFFF0] =	vst v3  }
0x35: {  	v58 =	vld.idx.msk [tilespmem:v0+s14+$0xFFFFFFD0 ss:$0x1], $0xffff;
	[tilespmem:s15+$0x0] =	vst v1  }
0x36: {  	v59 =	vld.idx.msk [tilespmem:v0+s14+$0xFFFFFFE0 ss:$0x1], $0xffff;
	[tilespmem:s15+$0x10] =	vst v2  }
0x37: {  	v60 =	vld.idx.msk [tilespmem:v0+s14+$0xFFFFFFF0 ss:$0x1], $0xffff;
	s31 =	sadd.s32 $0x800, s15;
	[tilespmem:s15+$0x20] =	vst v6  }
0x38: {  	v61 =	vld.idx.msk [tilespmem:v0+s14+$0x0 ss:$0x1], $0xffff;
	[tilespmem:s31+$0x30] =	vst v56  }
0x39: {  	v62 =	vld.idx.msk [tilespmem:v0+s14+$0x10 ss:$0x1], $0xffff;
	s13 =	sadd.s32 $0x1, s13;
	[tilespmem:s31+$0xFFFFFFC0] =	vst v57  }
0x3a: {  	v63 =	vld.idx.msk [tilespmem:v0+s14+$0x20 ss:$0x1], $0xffff;
	p1 =	sne.s32 s13, $0x10;
	[tilespmem:s31+$0xFFFFFFD0] =	vst v58  }
.Ltmp4:
0x3b: {  	[tilespmem:s31+$0xFFFFFFE0] =	vst v59;
	(pc) =	sbr.rel @p1 .LBB1_3-.Ltmp4, $4  }
0x3c: {  	[tilespmem:s31+$0xFFFFFFF0] =	vst v60  }
0x3d: {  	[tilespmem:s31+$0x0] =	vst v61  }
0x3e: {  	[tilespmem:s31+$0x10] =	vst v62  }
0x3f: {  	s10 =	sadd.s32 $0x80, s10;
	s11 =	sadd.s32 $0x400, s11;
	[tilespmem:s31+$0x20] =	vst v63  }
.Ltmp5:
0x40: {  	(pc) =	sbr.rel .LBB1_7-.Ltmp5, $4  }
0x41: {  	_ = 	snop  }
0x42: {  	s9 =	sshll.u32 s9, $0xB  }
0x43: {  	s9 =	sadd.s32 s3, s9  }
0x44: {  	[hbm4b:s9+s6] =	stream.linear.scatter [tilespmem:s12], [sflag:$0x2], $0x4000, $0x38;
	[tilespmem:$0x10000] =	vst v63  }
.LBB1_8:
0x45: {  	_ =	sfence.sel $0x180000  }
0x46: {  	s2 =	simm.s32 $0x1;
	[bflag:$0x0] =	sbarrier.arrive $0xFFFF  }
0x47: {  	s31 =	simm.s32 $0x2;
	[sflag:s2] =	ssyncpa.u1 $0x1  }
0x48: {  	[sflag:s31] =	ssyncpa.u1 $0x1  }
0x49: {  	p0 =	sne.s32 s1, $0x0;
	_ =	strace $0x9000004A  }
0x4a: {  	s0 =	sadd.s32 @!p0 $0x100000, s0;
	[bflag:$0x2] =	sbarrier.arrive $0xFFFF  }
0x4b: {  	[sflag:s0] =	ssyncadd.tile.s32 @!p0 $0x1;
	_ =	shalt  }
.Lfunc_end1:
_tile_overlayer_lowered:
.L_overlay_start_2:
0x4c: {  	(tag) =	ssettag $0x2  }
0x4d: {  	s0 =	rddreg [dreg:$0x0];
	s2 =	stileid.u32  }
0x4e: {  	s1 =	rddreg [dreg:$0x1];
	p0 =	sne.s32 s2, $0x0  }
0x4f: {  	s3 =	rddreg [dreg:$0x2];
	[bflag:$0x3] =	sbarrier.arrive $0xFFFF;
	s2 =	simm.s32 @!p0 $0x1C01  }
0x50: {  	[timem:s3], [sflag:s2] =	dma.local @!p0 [hbm:s0], s1  }
0x51: {  	s0 =	simm.s32 @!p0 $0x1  }
0x52: {  	_ =	swait.ge @!p0 [sflag:s0], s1  }
0x53: {  	s1 =	ssub.s32 @!p0 $0x0, s1;
	[sflag:s0] =	ssyncset.done @!p0 $0x0  }
0x54: {  	[sflag:s0] =	ssyncadd.s32 @!p0 s1  }
0x55: {  	[bflag:$0x3] =	sbarrier.arrive $0xFFFF  }
0x56: {  	_ =	shalt  }

// kernel: sparse-core-data-format-call.2.cloned.1.call-start
scs
called_computation.2_lowered:
.L_overlay_start_0:
0x0: {  	s2 =	sld [smem:$0x3FD9]  }
0x1: {  	s3 =	sld [smem:$0x3FFE];
	_ =	sdelay $0x1  }
0x2: {  	s1 =	srdreg.scid  }
0x3: {  	s0 =	sand.u32 $0x1, s1  }
0x4: {  	s18 =	sshll.u32 s0, $0xA;
	s2 =	sadd.s32 s3, s2  }
0x5: {  	s2 =	sadd.s32 s2, s18  }
0x6: {  	[smem:$0x3FC5] =	sst s2  }
0x7: {  	_ = 	snop  }
0x8: {  	s2 =	sld [smem:$0x3FC9];
	(tm) =	ssettm $0x1  }
0x9: {  	s19 =	sld [smem:$0x3FFB];
	_ =	sdelay $0x3  }
0xa: {  	_ =	strace s19  }
0xb: {  	s3 =	sld [smem:$0x3FFC];
	_ =	sdelay $0x3  }
0xc: {  	_ =	strace s3  }
0xd: {  	s3 =	sld [smem:$0x3FFD];
	_ =	sdelay $0x3  }
0xe: {  	_ =	strace s3  }
0xf: {  	_ =	strace $0x8FFFFFFF  }
0x10: {  	s20 =	sld [smem:$0x3FDB];
	_ =	sdelay $0x1  }
0x11: {  	s4 =	simm.s32 $_scs_section_size  }
0x12: {  	s5 =	simm.s32 $_size__tile_overlayer_lowered;
	s6 =	simm.s32 $_tile_overlayer_lowered  }
0x13: {  	s23 =	simm.s32 $0x1BFF;
	s22 =	sshll.u32 s6, $0x1;
	s3 =	sadd.s32 s4, s20  }
0x14: {  	s7 =	simm.s32 $0x0;
	s21 =	sshll.u32 s5, $0x1;
	s5 =	sadd.s32 s22, s3  }
0x15: {  	[timem:s7], [sflag:s23] =	dma.local [hbm:s5], s21  }
0x16: {  	_ =	swait.ge [sflag:s23], s21  }
0x17: {  	s4 =	ssub.s32 $0x0, s21;
	[sflag:s23] =	ssyncset.done $0x0  }
0x18: {  	[sflag:s23] =	ssyncadd.s32 s4;
	_ =	sdelay $0x1  }
0x19: {  	s24 =	simm.s32 $0x1B8B  }
0x1a: {  	_ =	swait.ge [sflag:s24], $0x1  }
0x1b: {  	[sflag:s24] =	ssyncset.done $0x0  }
0x1c: {  	s26 =	simm.s32 $0x1B8E;
	s25 =	sld [smem:$0x3FFE];
	[sflag:s24] =	ssyncadd.s32 $0xFFFFFFFF  }
0x1d: {  	s27 =	simm.s32 $execute0_lowered;
	[smem:$0x3FD2] =	sst s26  }
0x1e: {  	s5 =	sshll.u32 s27, $0x1;
	_ =	strace $0x80000046;
	[dreg:$0x1] =	wrdreg $0xFFFFFFFF  }
0x1f: {  	s28 =	simm.s32 $_size_execute0_lowered;
	s3 =	sadd.s32 s3, s5;
	[dreg:$0x0] =	wrdreg $0x0  }
0x20: {  	s5 =	sshll.u32 s28, $0x1;
	[dreg:$0x2] =	wrdreg s3  }
0x21: {  	[dreg:$0x3] =	wrdreg s5  }
0x22: {  	[dreg:$0x4] =	wrdreg $0xC0  }
0x23: {  	_ =	task [dreg:s7], $0x5FFFF  }
0x24: {  	[dreg:$0x1] =	wrdreg $0xFFFFFFFF  }
0x25: {  	[dreg:$0x0] =	wrdreg $0x60  }
0x26: {  	[dreg:$0x2] =	wrdreg s2  }
0x27: {  	[dreg:$0x3] =	wrdreg s25  }
0x28: {  	[dreg:$0x4] =	wrdreg $0xB  }
0x29: {  	_ =	task.clear_ibuf [dreg:s7], $0x5FFFF;
	_ =	strace $0x90000046  }
0x2a: {  	s29 =	simm.s32 $0xB;
	_ =	strace $0x80000048  }
0x2b: {  	_ =	swait.ge [sflag:s29], $0x1  }
0x2c: {  	[sflag:s29] =	ssyncadd.s32 $0xFFFFFFFF  }
0x2d: {  	_ =	strace $0x90000048  }
0x2e: {  	_ =	sfence  }
0x2f: {  	s30 =	sld [smem:$0x0];
	_ =	sdelay $0x2  }
0x30: {  	s31 =	sshll.u32 s1, $0xD;
	s1 =	sshrl.u32 s1, $0x2  }
0x31: {  	s3 =	sand.u32 $0x4000, s31;
	s1 =	sadd.s32 s1, s30  }
0x32: {  	s0 =	sor.u32 s3, s0;
	s1 =	sshll.u32 s1, $0x11  }
0x33: {  	s0 =	sor.u32 s1, s0  }
0x34: {  	s0 =	sadd.s32 $0x8F2B, s0  }
0x35: {  	[sflag:s0] =	ssyncadd.remote.s32 $0x1  }
0x36: {  	_ =	sfence.sel $0xFFFF  }
0x37: {  	[dreg:$0x0] =	wrdreg $0xFFFFFFFF;
	(pc) =	sbr.abs _section_cstart, $3  }
0x38: {  	[dreg:$0x1] =	wrdreg $0xFFFFFFFF  }
0x39: {  	_ =	task.clear_ibuf [dreg:s7], $0x2FFFF;
	_ =	strace $0x9FFFFFFF  }
0x3a: {  	(tm) =	ssettm $0x7FFFFFFF  }
0x3b: {  	_ =	shalt  }
tec
execute0_lowered:
.L_overlay_start_1:
0x0: {  	(tag) =	ssettag $0x1  }
0x1: {  	s2 =	rddreg [dreg:$0x0]  }
0x2: {  	s1 =	rddreg [dreg:$0x1]  }
0x3: {  	s0 =	rddreg [dreg:$0x2];
	_ =	strace $0x80000047;
	s4 =	srdreg.scid  }
.Ltmp0:
0x4: {  	s6 =	simm.s32 $0x2;
	p0 =	por $0x0, $0x0;
	(pc) =	sbr.rel .LBB1_1-.Ltmp0, $4  }
0x5: {  	s9 =	simm.s32 $0x0;
	s3 =	sadd.s32 $0x2000, s1;
	s5 =	sshll.u32 s4, $0x4  }
0x6: {  	s1 =	stileid.u32;
	s4 =	simm.s32 $0x1;
	s5 =	sand.u32 $0x10, s5  }
0x7: {  	s7 =	simm.s32 $0x0;
	[sflag:s4] =	ssyncpa.u1 $0x0;
	s5 =	sor.u32 s1, s5  }
0x8: {  	[sflag:s6] =	ssyncpa.u1 $0x0;
	s6 =	simm.s32 $0x0;
	s8 =	smov.u32 s5  }
.LBB1_7:
0x9: {  	s11 =	sadd.s32 $0x20, s8  }
0xa: {  	p1 =	slt.u32 s7, $0x2;
	s7 =	sadd.s32 $0x1, s7;
	p2 =	sgt.s32 s11, $0x1FF  }
0xb: {  	s11 =	smov.u32 @p2 s5;
	p2 =	sne.s32 s7, $0x12  }
.Ltmp1:
0xc: {  	_ = 	snop;
	(pc) =	sbr.rel @!p2 .LBB1_8-.Ltmp1, $4  }
0xd: {  	s10 =	simm.s32 @!p1 $0x2  }
0xe: {  	_ =	swait.ge @!p1 [sflag:s10], $0x4000  }
0xf: {  	s9 =	smov.u32 s8;
	[sflag:s10] =	ssyncset.done @!p1 $0x0  }
0x10: {  	p0 =	por !p0, !p0;
	s8 =	smov.u32 s11;
	[sflag:s10] =	ssyncadd.s32 @!p1 $0xFFFFC000  }
.LBB1_1:
0x11: {  	p1 =	sgt.u32 s7, $0xF  }
0x12: {  	s10 =	sxor.u32 @!p1 $0xFFFFFFFF, s7  }
0x13: {  	s11 =	sshll.u32 @!p1 s8, $0xB;
	s10 =	sshll.u32 @!p1 s10, $0xE  }
0x14: {  	s12 =	simm.s32 @!p1 $0x0;
	s11 =	sadd.s32 @!p1 s2, s11;
	s10 =	sand.u32 @!p1 $0x4000, s10  }
0x15: {  	[tilespmem:s10], [sflag:$0x1] =	stream.linear.gather @!p1 [hbm4b:s11+s12], $0x4000, $0x38;
	[tilespmem:$0x10000] =	vst v63  }
0x16: {  	p1 =	seq.s32 s7, $0x0  }
0x17: {  	p2 =	seq.s32 @!p1 s7, $0x11  }
0x18: {  	p1 =	por p1, p2  }
.Ltmp2:
0x19: {  	_ = 	snop;
	(pc) =	sbr.rel @p1 .LBB1_7-.Ltmp2, $1  }
0x1a: {  	_ =	sdelay $0x3  }
0x1b: {  	s10 =	simm.s32 $0x1;
	_ =	swait.ge [sflag:s4], $0x4000;
	s12 =	sshll.u32 s7, $0xE  }
0x1c: {  	s13 =	simm.s32 $0x0;
	s10 =	simm.s32 @!p0 $0x0;
	[sflag:s4] =	ssyncset.done $0x0  }
0x1d: {  	s12 =	sand.u32 $0x4000, s12;
	s11 =	sshll.u32 s10, $0xE;
	[sflag:s4] =	ssyncadd.s32 $0xFFFFC000  }
0x1e: {  	s12 =	sor.u32 $0x8000, s12;
	s10 =	sor.u32 $0x8040, s11;
	s11 =	sor.u32 $0x40, s11  }
.LBB1_3:
0x1f: {  	v0 =	vmov s11;
	_ =	sdelay $0x3  }
0x20: {  	s15 =	simm.s32 $0x0  }
0x21: {  	v6 =	vld.idx.msk [tilespmem:v0+s15+$0x30 ss:$0x1], $0xffff  }
0x22: {  	v7 =	vld.idx.msk [tilespmem:v0+s15+$0xFFFFFFC0 ss:$0x1], $0xffff  }
0x23: {  	v5 =	vld.idx.msk [tilespmem:v0+s15+$0xFFFFFFD0 ss:$0x1], $0xffff  }
0x24: {  	v4 =	vld.idx.msk [tilespmem:v0+s15+$0xFFFFFFE0 ss:$0x1], $0xffff  }
0x25: {  	v3 =	vld.idx.msk [tilespmem:v0+s15+$0xFFFFFFF0 ss:$0x1], $0xffff  }
0x26: {  	v1 =	vld.idx.msk [tilespmem:v0+s15+$0x0 ss:$0x1], $0xffff  }
0x27: {  	v2 =	vld.idx.msk [tilespmem:v0+s15+$0x10 ss:$0x1], $0xffff;
	[tilespmem:s10+$0x30] =	vst v6  }
0x28: {  	s14 =	simm.s32 $0x80;
	s16 =	simm.s32 $0x400;
	[tilespmem:s10+$0xFFFFFFC0] =	vst v7;
	v6 =	vld.idx.msk [tilespmem:v0+s15+$0x20 ss:$0x1], $0xffff;
	s15 =	smov.u32 s10  }
.LBB1_4:
0x29: {  	p1 =	sne.s32 s16, $0xE00;
	v7 =	vld.idx.msk [tilespmem:v0+s14+$0x30 ss:$0x1], $0xffff;
	[tilespmem:s15+$0xFFFFFFD0] =	vst v5  }
0x2a: {  	v8 =	vld.idx.msk [tilespmem:v0+s14+$0xFFFFFFC0 ss:$0x1], $0xffff;
	[tilespmem:s15+$0xFFFFFFE0] =	vst v4  }
0x2b: {  	v5 =	vld.idx.msk [tilespmem:v0+s14+$0xFFFFFFD0 ss:$0x1], $0xffff;
	[tilespmem:s15+$0xFFFFFFF0] =	vst v3  }
.Ltmp3:
0x2c: {  	v4 =	vld.idx.msk [tilespmem:v0+s14+$0xFFFFFFE0 ss:$0x1], $0xffff;
	[tilespmem:s15+$0x0] =	vst v1;
	(pc) =	sbr.rel @p1 .LBB1_4-.Ltmp3, $4  }
0x2d: {  	v3 =	vld.idx.msk [tilespmem:v0+s14+$0xFFFFFFF0 ss:$0x1], $0xffff;
	[tilespmem:s15+$0x10] =	vst v2  }
0x2e: {  	v1 =	vld.idx.msk [tilespmem:v0+s14+$0x0 ss:$0x1], $0xffff;
	[tilespmem:s15+$0x20] =	vst v6;
	s15 =	sadd.s32 $0x800, s15  }
0x2f: {  	v2 =	vld.idx.msk [tilespmem:v0+s14+$0x10 ss:$0x1], $0xffff;
	[tilespmem:s15+$0x30] =	vst v7  }
0x30: {  	[tilespmem:s15+$0xFFFFFFC0] =	vst v8;
	v6 =	vld.idx.msk [tilespmem:v0+s14+$0x20 ss:$0x1], $0xffff;
	s14 =	sshra.s32 s16, $0x2;
	s16 =	sadd.s32 $0x200, s16  }
0x31: {  	_ =	sdelay $0x2  }
0x32: {  	[tilespmem:s15+$0xFFFFFFD0] =	vst v5  }
0x33: {  	v56 =	vld.idx.msk [tilespmem:v0+s14+$0x30 ss:$0x1], $0xffff;
	[tilespmem:s15+$0xFFFFFFE0] =	vst v4  }
0x34: {  	v57 =	vld.idx.msk [tilespmem:v0+s14+$0xFFFFFFC0 ss:$0x1], $0xffff;
	[tilespmem:s15+$0xFFFFFFF0] =	vst v3  }
0x35: {  	v58 =	vld.idx.msk [tilespmem:v0+s14+$0xFFFFFFD0 ss:$0x1], $0xffff;
	[tilespmem:s15+$0x0] =	vst v1  }
0x36: {  	v59 =	vld.idx.msk [tilespmem:v0+s14+$0xFFFFFFE0 ss:$0x1], $0xffff;
	[tilespmem:s15+$0x10] =	vst v2  }
0x37: {  	v60 =	vld.idx.msk [tilespmem:v0+s14+$0xFFFFFFF0 ss:$0x1], $0xffff;
	s31 =	sadd.s32 $0x800, s15;
	[tilespmem:s15+$0x20] =	vst v6  }
0x38: {  	v61 =	vld.idx.msk [tilespmem:v0+s14+$0x0 ss:$0x1], $0xffff;
	[tilespmem:s31+$0x30] =	vst v56  }
0x39: {  	v62 =	vld.idx.msk [tilespmem:v0+s14+$0x10 ss:$0x1], $0xffff;
	s13 =	sadd.s32 $0x1, s13;
	[tilespmem:s31+$0xFFFFFFC0] =	vst v57  }
0x3a: {  	v63 =	vld.idx.msk [tilespmem:v0+s14+$0x20 ss:$0x1], $0xffff;
	p1 =	sne.s32 s13, $0x10;
	[tilespmem:s31+$0xFFFFFFD0] =	vst v58  }
.Ltmp4:
0x3b: {  	[tilespmem:s31+$0xFFFFFFE0] =	vst v59;
	(pc) =	sbr.rel @p1 .LBB1_3-.Ltmp4, $4  }
0x3c: {  	[tilespmem:s31+$0xFFFFFFF0] =	vst v60  }
0x3d: {  	[tilespmem:s31+$0x0] =	vst v61  }
0x3e: {  	[tilespmem:s31+$0x10] =	vst v62  }
0x3f: {  	s10 =	sadd.s32 $0x80, s10;
	s11 =	sadd.s32 $0x400, s11;
	[tilespmem:s31+$0x20] =	vst v63  }
.Ltmp5:
0x40: {  	(pc) =	sbr.rel .LBB1_7-.Ltmp5, $4  }
0x41: {  	_ = 	snop  }
0x42: {  	s9 =	sshll.u32 s9, $0xB  }
0x43: {  	s9 =	sadd.s32 s3, s9  }
0x44: {  	[hbm4b:s9+s6] =	stream.linear.scatter [tilespmem:s12], [sflag:$0x2], $0x4000, $0x38;
	[tilespmem:$0x10000] =	vst v63  }
.LBB1_8:
0x45: {  	_ =	sfence.sel $0x180000  }
0x46: {  	s2 =	simm.s32 $0x1;
	[bflag:$0x0] =	sbarrier.arrive $0xFFFF  }
0x47: {  	s31 =	simm.s32 $0x2;
	[sflag:s2] =	ssyncpa.u1 $0x1  }
0x48: {  	[sflag:s31] =	ssyncpa.u1 $0x1  }
0x49: {  	p0 =	sne.s32 s1, $0x0;
	_ =	strace $0x90000047  }
0x4a: {  	s0 =	sadd.s32 @!p0 $0x100000, s0;
	[bflag:$0x2] =	sbarrier.arrive $0xFFFF  }
0x4b: {  	[sflag:s0] =	ssyncadd.tile.s32 @!p0 $0x1;
	_ =	shalt  }
.Lfunc_end1:
_tile_overlayer_lowered:
.L_overlay_start_2:
0x4c: {  	(tag) =	ssettag $0x2  }
0x4d: {  	s0 =	rddreg [dreg:$0x0];
	s2 =	stileid.u32  }
0x4e: {  	s1 =	rddreg [dreg:$0x1];
	p0 =	sne.s32 s2, $0x0  }
0x4f: {  	s3 =	rddreg [dreg:$0x2];
	[bflag:$0x3] =	sbarrier.arrive $0xFFFF;
	s2 =	simm.s32 @!p0 $0x1C01  }
0x50: {  	[timem:s3], [sflag:s2] =	dma.local @!p0 [hbm:s0], s1  }
0x51: {  	s0 =	simm.s32 @!p0 $0x1  }
0x52: {  	_ =	swait.ge @!p0 [sflag:s0], s1  }
0x53: {  	s1 =	ssub.s32 @!p0 $0x0, s1;
	[sflag:s0] =	ssyncset.done @!p0 $0x0  }
0x54: {  	[sflag:s0] =	ssyncadd.s32 @!p0 s1  }
0x55: {  	[bflag:$0x3] =	sbarrier.arrive $0xFFFF  }
0x56: {  	_ =	shalt  }

// kernel: sparse-core-data-format-call.cloned.1.call-start
scs
called_computation_lowered:
.L_overlay_start_0:
0x0: {  	s2 =	sld [smem:$0x3FD9]  }
0x1: {  	s3 =	sld [smem:$0x3FFE];
	_ =	sdelay $0x1  }
0x2: {  	s1 =	srdreg.scid  }
0x3: {  	s0 =	sand.u32 $0x1, s1  }
0x4: {  	s19 =	sshll.u32 s0, $0xA;
	s2 =	sadd.s32 s3, s2  }
0x5: {  	s2 =	sadd.s32 s2, s19  }
0x6: {  	[smem:$0x3FC5] =	sst s2  }
0x7: {  	_ = 	snop  }
0x8: {  	s20 =	sld [smem:$0x3FC7]  }
0x9: {  	s4 =	sld [smem:$0x3FD0];
	(tm) =	ssettm $0x1  }
0xa: {  	s21 =	sld [smem:$0x3FFB];
	_ =	sdelay $0x3  }
0xb: {  	_ =	strace s21  }
0xc: {  	s2 =	sld [smem:$0x3FFC];
	_ =	sdelay $0x3  }
0xd: {  	_ =	strace s2  }
0xe: {  	s2 =	sld [smem:$0x3FFD];
	_ =	sdelay $0x3  }
0xf: {  	_ =	strace s2  }
0x10: {  	_ =	strace $0x8FFFFFFF  }
0x11: {  	s22 =	sld [smem:$0x3FDB];
	_ =	sdelay $0x1  }
0x12: {  	s5 =	simm.s32 $_scs_section_size  }
0x13: {  	s6 =	simm.s32 $_size__tile_overlayer_lowered;
	s7 =	simm.s32 $_tile_overlayer_lowered  }
0x14: {  	s8 =	simm.s32 $0x1BFF;
	s23 =	sshll.u32 s7, $0x1;
	s5 =	sadd.s32 s5, s22  }
0x15: {  	s24 =	simm.s32 $0x0;
	s6 =	sshll.u32 s6, $0x1;
	s7 =	sadd.s32 s23, s5  }
0x16: {  	[timem:s24], [sflag:s8] =	dma.local [hbm:s7], s6  }
0x17: {  	_ =	swait.ge [sflag:s8], s6  }
0x18: {  	s6 =	ssub.s32 $0x0, s6;
	[sflag:s8] =	ssyncset.done $0x0  }
0x19: {  	[sflag:s8] =	ssyncadd.s32 s6;
	_ =	sdelay $0x1  }
0x1a: {  	s25 =	simm.s32 $0x1B8B  }
0x1b: {  	_ =	swait.ge [sflag:s25], $0x1  }
0x1c: {  	[sflag:s25] =	ssyncset.done $0x0  }
0x1d: {  	[sflag:s25] =	ssyncadd.s32 $0xFFFFFFFF  }
0x1e: {  	s6 =	sld [smem:$0x0]  }
0x1f: {  	s7 =	sand.u32 $0xFFFFFFFE, s1  }
0x20: {  	p0 =	sne.s32 s1, s7  }
0x21: {  	s7 =	sshll.u32 @p0 s7, $0xE  }
0x22: {  	s7 =	sadd.s32 @p0 $0x11B8D, s7;
	s8 =	sshll.u32 @p0 s6, $0x11  }
0x23: {  	s7 =	sor.u32 @p0 s8, s7  }
0x24: {  	[sflag:s7] =	ssyncadd.remote.s32 @p0 $0x1;
	_ =	sdelay $0x1  }
0x25: {  	s7 =	simm.s32 @p0 $0x1B8D  }
0x26: {  	_ =	swait.eq @p0 [sflag:s7], $0x1  }
0x27: {  	[sflag:s7] =	ssyncadd.s32 @p0 $0xFFFFFFFF  }
0x28: {  	s8 =	sshll.u32 @!p0 s1, $0xE  }
0x29: {  	s8 =	sor.u32 @!p0 $0x4000, s8;
	s7 =	simm.s32 @!p0 $0x1B8D  }
0x2a: {  	s6 =	sshll.u32 @!p0 s6, $0x11;
	s8 =	sadd.s32 @!p0 $0x11B8D, s8;
	_ =	swait.eq @!p0 [sflag:s7], $0x1  }
0x2b: {  	s6 =	sor.u32 @!p0 s6, s8;
	[sflag:s7] =	ssyncadd.s32 @!p0 $0xFFFFFFFF  }
0x2c: {  	s26 =	simm.s32 $0x1B8E;
	[sflag:s6] =	ssyncadd.remote.s32 @!p0 $0x1  }
0x2d: {  	s27 =	simm.s32 $execute0_lowered;
	[smem:$0x3FD2] =	sst s26  }
0x2e: {  	s6 =	sshll.u32 s27, $0x1;
	_ =	strace $0x8000004C;
	[dreg:$0x1] =	wrdreg $0xFFFFFFFF  }
0x2f: {  	s28 =	simm.s32 $_size_execute0_lowered;
	s5 =	sadd.s32 s5, s6;
	[dreg:$0x0] =	wrdreg $0x0  }
0x30: {  	s6 =	sshll.u32 s28, $0x1;
	[dreg:$0x2] =	wrdreg s5  }
0x31: {  	[dreg:$0x3] =	wrdreg s6  }
0x32: {  	[dreg:$0x4] =	wrdreg $0xC0  }
0x33: {  	_ =	task [dreg:s24], $0x5FFFF  }
0x34: {  	[dreg:$0x1] =	wrdreg $0xFFFFFFFF  }
0x35: {  	[dreg:$0x0] =	wrdreg $0x60  }
0x36: {  	[dreg:$0x2] =	wrdreg s20  }
0x37: {  	[dreg:$0x3] =	wrdreg s4  }
0x38: {  	[dreg:$0x4] =	wrdreg $0x9  }
0x39: {  	_ =	task.clear_ibuf [dreg:s24], $0x5FFFF;
	_ =	strace $0x9000004C  }
0x3a: {  	s29 =	simm.s32 $0x9;
	_ =	strace $0x8000004E  }
0x3b: {  	_ =	swait.ge [sflag:s29], $0x1  }
0x3c: {  	[sflag:s29] =	ssyncadd.s32 $0xFFFFFFFF  }
0x3d: {  	_ =	strace $0x9000004E  }
0x3e: {  	_ =	sfence  }
0x3f: {  	s30 =	sld [smem:$0x0];
	_ =	sdelay $0x2  }
0x40: {  	s31 =	sshll.u32 s1, $0xD;
	s1 =	sshrl.u32 s1, $0x2  }
0x41: {  	s4 =	sand.u32 $0x4000, s31;
	s1 =	sadd.s32 s1, s30  }
0x42: {  	s0 =	sor.u32 s4, s0;
	s1 =	sshll.u32 s1, $0x11  }
0x43: {  	s0 =	sor.u32 s1, s0  }
0x44: {  	s0 =	sadd.s32 $0x8F2B, s0  }
0x45: {  	[sflag:s0] =	ssyncadd.remote.s32 $0x1  }
0x46: {  	_ =	sfence.sel $0xFFFF  }
0x47: {  	[dreg:$0x0] =	wrdreg $0xFFFFFFFF;
	(pc) =	sbr.abs _section_cstart, $3  }
0x48: {  	[dreg:$0x1] =	wrdreg $0xFFFFFFFF  }
0x49: {  	_ =	task.clear_ibuf [dreg:s24], $0x2FFFF;
	_ =	strace $0x9FFFFFFF  }
0x4a: {  	(tm) =	ssettm $0x7FFFFFFF  }
0x4b: {  	_ =	shalt  }
tec
execute0_lowered:
.L_overlay_start_1:
0x0: {  	(tag) =	ssettag $0x1  }
0x1: {  	s2 =	rddreg [dreg:$0x0]  }
0x2: {  	s3 =	rddreg [dreg:$0x1]  }
0x3: {  	s0 =	rddreg [dreg:$0x2];
	s4 =	srdreg.scid  }
.Ltmp0:
0x4: {  	_ =	strace $0x8000004D;
	s1 =	stileid.u32;
	(pc) =	sbr.rel .LBB1_1-.Ltmp0, $4  }
0x5: {  	s6 =	simm.s32 $0x2;
	p0 =	por $0x0, $0x0;
	s5 =	sshll.u32 s4, $0x4  }
0x6: {  	s9 =	simm.s32 $0x0;
	s4 =	simm.s32 $0x1;
	s5 =	sand.u32 $0x10, s5  }
0x7: {  	s7 =	simm.s32 $0x0;
	[sflag:s4] =	ssyncpa.u1 $0x0;
	s5 =	sor.u32 s1, s5  }
0x8: {  	[sflag:s6] =	ssyncpa.u1 $0x0;
	s6 =	simm.s32 $0x0;
	s8 =	smov.u32 s5  }
.LBB1_7:
0x9: {  	s11 =	sadd.s32 $0x20, s8  }
0xa: {  	p1 =	slt.u32 s7, $0x2;
	s7 =	sadd.s32 $0x1, s7;
	p2 =	sgt.s32 s11, $0x1FF  }
0xb: {  	s11 =	smov.u32 @p2 s5;
	p2 =	sne.s32 s7, $0x12  }
.Ltmp1:
0xc: {  	_ = 	snop;
	(pc) =	sbr.rel @!p2 .LBB1_8-.Ltmp1, $4  }
0xd: {  	s10 =	simm.s32 @!p1 $0x2  }
0xe: {  	_ =	swait.ge @!p1 [sflag:s10], $0x4000  }
0xf: {  	s9 =	smov.u32 s8;
	[sflag:s10] =	ssyncset.done @!p1 $0x0  }
0x10: {  	p0 =	por !p0, !p0;
	s8 =	smov.u32 s11;
	[sflag:s10] =	ssyncadd.s32 @!p1 $0xFFFFC000  }
.LBB1_1:
0x11: {  	p1 =	sgt.u32 s7, $0xF  }
0x12: {  	s10 =	sxor.u32 @!p1 $0xFFFFFFFF, s7  }
0x13: {  	s11 =	sshll.u32 @!p1 s8, $0xB;
	s10 =	sshll.u32 @!p1 s10, $0xE  }
0x14: {  	s12 =	simm.s32 @!p1 $0x0;
	s11 =	sadd.s32 @!p1 s2, s11;
	s10 =	sand.u32 @!p1 $0x4000, s10  }
0x15: {  	[tilespmem:s10], [sflag:$0x1] =	stream.linear.gather @!p1 [hbm4b:s11+s12], $0x4000, $0x38;
	[tilespmem:$0x10000] =	vst v63  }
0x16: {  	p1 =	seq.s32 s7, $0x0  }
0x17: {  	p2 =	seq.s32 @!p1 s7, $0x11  }
0x18: {  	p1 =	por p1, p2  }
.Ltmp2:
0x19: {  	_ = 	snop;
	(pc) =	sbr.rel @p1 .LBB1_7-.Ltmp2, $1  }
0x1a: {  	_ =	sdelay $0x3  }
0x1b: {  	s10 =	simm.s32 $0x1;
	_ =	swait.ge [sflag:s4], $0x4000;
	s12 =	sshll.u32 s7, $0xE  }
0x1c: {  	s13 =	simm.s32 $0x0;
	s10 =	simm.s32 @!p0 $0x0;
	[sflag:s4] =	ssyncset.done $0x0  }
0x1d: {  	s12 =	sand.u32 $0x4000, s12;
	s11 =	sshll.u32 s10, $0xE;
	[sflag:s4] =	ssyncadd.s32 $0xFFFFC000  }
0x1e: {  	s12 =	sor.u32 $0x8000, s12;
	s10 =	sor.u32 $0x8040, s11;
	s11 =	sor.u32 $0x40, s11  }
.LBB1_3:
0x1f: {  	v0 =	vmov s11;
	_ =	sdelay $0x3  }
0x20: {  	s15 =	simm.s32 $0x0  }
0x21: {  	v6 =	vld.idx.msk [tilespmem:v0+s15+$0x30 ss:$0x1], $0xffff  }
0x22: {  	v7 =	vld.idx.msk [tilespmem:v0+s15+$0xFFFFFFC0 ss:$0x1], $0xffff  }
0x23: {  	v5 =	vld.idx.msk [tilespmem:v0+s15+$0xFFFFFFD0 ss:$0x1], $0xffff  }
0x24: {  	v4 =	vld.idx.msk [tilespmem:v0+s15+$0xFFFFFFE0 ss:$0x1], $0xffff  }
0x25: {  	v3 =	vld.idx.msk [tilespmem:v0+s15+$0xFFFFFFF0 ss:$0x1], $0xffff  }
0x26: {  	v1 =	vld.idx.msk [tilespmem:v0+s15+$0x0 ss:$0x1], $0xffff  }
0x27: {  	v2 =	vld.idx.msk [tilespmem:v0+s15+$0x10 ss:$0x1], $0xffff;
	[tilespmem:s10+$0x30] =	vst v6  }
0x28: {  	s14 =	simm.s32 $0x80;
	s16 =	simm.s32 $0x400;
	[tilespmem:s10+$0xFFFFFFC0] =	vst v7;
	v6 =	vld.idx.msk [tilespmem:v0+s15+$0x20 ss:$0x1], $0xffff;
	s15 =	smov.u32 s10  }
.LBB1_4:
0x29: {  	p1 =	sne.s32 s16, $0xE00;
	v7 =	vld.idx.msk [tilespmem:v0+s14+$0x30 ss:$0x1], $0xffff;
	[tilespmem:s15+$0xFFFFFFD0] =	vst v5  }
0x2a: {  	v8 =	vld.idx.msk [tilespmem:v0+s14+$0xFFFFFFC0 ss:$0x1], $0xffff;
	[tilespmem:s15+$0xFFFFFFE0] =	vst v4  }
0x2b: {  	v5 =	vld.idx.msk [tilespmem:v0+s14+$0xFFFFFFD0 ss:$0x1], $0xffff;
	[tilespmem:s15+$0xFFFFFFF0] =	vst v3  }
.Ltmp3:
0x2c: {  	v4 =	vld.idx.msk [tilespmem:v0+s14+$0xFFFFFFE0 ss:$0x1], $0xffff;
	[tilespmem:s15+$0x0] =	vst v1;
	(pc) =	sbr.rel @p1 .LBB1_4-.Ltmp3, $4  }
0x2d: {  	v3 =	vld.idx.msk [tilespmem:v0+s14+$0xFFFFFFF0 ss:$0x1], $0xffff;
	[tilespmem:s15+$0x10] =	vst v2  }
0x2e: {  	v1 =	vld.idx.msk [tilespmem:v0+s14+$0x0 ss:$0x1], $0xffff;
	[tilespmem:s15+$0x20] =	vst v6;
	s15 =	sadd.s32 $0x800, s15  }
0x2f: {  	v2 =	vld.idx.msk [tilespmem:v0+s14+$0x10 ss:$0x1], $0xffff;
	[tilespmem:s15+$0x30] =	vst v7  }
0x30: {  	[tilespmem:s15+$0xFFFFFFC0] =	vst v8;
	v6 =	vld.idx.msk [tilespmem:v0+s14+$0x20 ss:$0x1], $0xffff;
	s14 =	sshra.s32 s16, $0x2;
	s16 =	sadd.s32 $0x200, s16  }
0x31: {  	_ =	sdelay $0x2  }
0x32: {  	[tilespmem:s15+$0xFFFFFFD0] =	vst v5  }
0x33: {  	v56 =	vld.idx.msk [tilespmem:v0+s14+$0x30 ss:$0x1], $0xffff;
	[tilespmem:s15+$0xFFFFFFE0] =	vst v4  }
0x34: {  	v57 =	vld.idx.msk [tilespmem:v0+s14+$0xFFFFFFC0 ss:$0x1], $0xffff;
	[tilespmem:s15+$0xFFFFFFF0] =	vst v3  }
0x35: {  	v58 =	vld.idx.msk [tilespmem:v0+s14+$0xFFFFFFD0 ss:$0x1], $0xffff;
	[tilespmem:s15+$0x0] =	vst v1  }
0x36: {  	v59 =	vld.idx.msk [tilespmem:v0+s14+$0xFFFFFFE0 ss:$0x1], $0xffff;
	[tilespmem:s15+$0x10] =	vst v2  }
0x37: {  	v60 =	vld.idx.msk [tilespmem:v0+s14+$0xFFFFFFF0 ss:$0x1], $0xffff;
	s31 =	sadd.s32 $0x800, s15;
	[tilespmem:s15+$0x20] =	vst v6  }
0x38: {  	v61 =	vld.idx.msk [tilespmem:v0+s14+$0x0 ss:$0x1], $0xffff;
	[tilespmem:s31+$0x30] =	vst v56  }
0x39: {  	v62 =	vld.idx.msk [tilespmem:v0+s14+$0x10 ss:$0x1], $0xffff;
	s13 =	sadd.s32 $0x1, s13;
	[tilespmem:s31+$0xFFFFFFC0] =	vst v57  }
0x3a: {  	v63 =	vld.idx.msk [tilespmem:v0+s14+$0x20 ss:$0x1], $0xffff;
	p1 =	sne.s32 s13, $0x10;
	[tilespmem:s31+$0xFFFFFFD0] =	vst v58  }
.Ltmp4:
0x3b: {  	[tilespmem:s31+$0xFFFFFFE0] =	vst v59;
	(pc) =	sbr.rel @p1 .LBB1_3-.Ltmp4, $4  }
0x3c: {  	[tilespmem:s31+$0xFFFFFFF0] =	vst v60  }
0x3d: {  	[tilespmem:s31+$0x0] =	vst v61  }
0x3e: {  	[tilespmem:s31+$0x10] =	vst v62  }
0x3f: {  	s10 =	sadd.s32 $0x80, s10;
	s11 =	sadd.s32 $0x400, s11;
	[tilespmem:s31+$0x20] =	vst v63  }
.Ltmp5:
0x40: {  	(pc) =	sbr.rel .LBB1_7-.Ltmp5, $4  }
0x41: {  	_ = 	snop  }
0x42: {  	s9 =	sshll.u32 s9, $0xB  }
0x43: {  	s9 =	sadd.s32 s3, s9  }
0x44: {  	[hbm4b:s9+s6] =	stream.linear.scatter [tilespmem:s12], [sflag:$0x2], $0x4000, $0x38;
	[tilespmem:$0x10000] =	vst v63  }
.LBB1_8:
0x45: {  	_ =	sfence.sel $0x180000  }
0x46: {  	s2 =	simm.s32 $0x1;
	[bflag:$0x0] =	sbarrier.arrive $0xFFFF  }
0x47: {  	s31 =	simm.s32 $0x2;
	[sflag:s2] =	ssyncpa.u1 $0x1  }
0x48: {  	[sflag:s31] =	ssyncpa.u1 $0x1  }
0x49: {  	p0 =	sne.s32 s1, $0x0;
	_ =	strace $0x9000004D  }
0x4a: {  	s0 =	sadd.s32 @!p0 $0x100000, s0;
	[bflag:$0x2] =	sbarrier.arrive $0xFFFF  }
0x4b: {  	[sflag:s0] =	ssyncadd.tile.s32 @!p0 $0x1;
	_ =	shalt  }
.Lfunc_end1:
_tile_overlayer_lowered:
.L_overlay_start_2:
0x4c: {  	(tag) =	ssettag $0x2  }
0x4d: {  	s0 =	rddreg [dreg:$0x0];
	s2 =	stileid.u32  }
0x4e: {  	s1 =	rddreg [dreg:$0x1];
	p0 =	sne.s32 s2, $0x0  }
0x4f: {  	s3 =	rddreg [dreg:$0x2];
	[bflag:$0x3] =	sbarrier.arrive $0xFFFF;
	s2 =	simm.s32 @!p0 $0x1C01  }
0x50: {  	[timem:s3], [sflag:s2] =	dma.local @!p0 [hbm:s0], s1  }
0x51: {  	s0 =	simm.s32 @!p0 $0x1  }
0x52: {  	_ =	swait.ge @!p0 [sflag:s0], s1  }
0x53: {  	s1 =	ssub.s32 @!p0 $0x0, s1;
	[sflag:s0] =	ssyncset.done @!p0 $0x0  }
0x54: {  	[sflag:s0] =	ssyncadd.s32 @!p0 s1  }
0x55: {  	[bflag:$0x3] =	sbarrier.arrive $0xFFFF  }
0x56: {  	_ =	shalt  }

</sc_bundles>
